<compile_context>
chip_gen: v7x
topology: tpu7x:2x2x1
jax: 0.10.2.dev20260603
libtpu: 0.0.44.dev20260713+nightly
codegen_flags: <defaults>
</compile_context>

<pallas_src>
import functools

import jax
import jax.numpy as jnp
from jax import lax
from jax.experimental import pallas as pl
from jax.experimental.pallas import tpu as pltpu
from jax.experimental.pallas import tpu_sc as plsc

_L = 128
_NC = 2
_NS = 16
_NW = _NC * _NS
_N = 10
_A = 5


def _embed_body(tokens_hbm, table_hbm, out_hbm, idx_all, *scratch):
    rows = scratch[:_N]
    gsem = scratch[_N:2 * _N]
    osem = scratch[2 * _N:3 * _N]
    nblocks = tokens_hbm.shape[0]
    per_w = nblocks // _NW
    wid = lax.axis_index("s") * _NC + lax.axis_index("c")
    base = wid * per_w

    pltpu.sync_copy(tokens_hbm.at[pl.ds(base, per_w)], idx_all)

    def fire_gather(j, b):
        pltpu.async_copy(table_hbm.at[idx_all.at[j]], rows[b], gsem[b])

    def drain_gather_fire_write(j, b):
        pltpu.make_async_copy(table_hbm.at[idx_all.at[j]], rows[b], gsem[b]).wait()
        pltpu.async_copy(rows[b], out_hbm.at[base + j], osem[b])

    def drain_write(j, b):
        pltpu.make_async_copy(rows[b], out_hbm.at[base + j], osem[b]).wait()

    for j in range(_N):
        fire_gather(j, j)
    for j in range(_A):
        drain_gather_fire_write(j, j)

    n_outer = (per_w - _N) // _N

    def outer(o, carry):
        i0 = _N + o * _N
        for b in range(_N):
            i = i0 + b
            drain_gather_fire_write(i - _A, (b - _A) % _N)
            drain_write(i - _N, b)
            fire_gather(i, b)
        return carry

    lax.fori_loop(0, n_outer, outer, 0)

    for j in range(per_w - _A, per_w):
        drain_gather_fire_write(j, j % _N)
    for j in range(per_w - _N, per_w):
        drain_write(j, j % _N)


def kernel(tokens, W_E):
    batch, seq = tokens.shape
    d_model = W_E.shape[1]
    n = batch * seq
    nblocks = n // _L
    per_w = nblocks // _NW
    tokens2d = tokens.reshape(nblocks, _L).astype(jnp.int32)

    mesh = plsc.VectorSubcoreMesh(core_axis_name="c", subcore_axis_name="s")
    fn = functools.partial(
        pl.kernel,
        mesh=mesh,
        out_type=jax.ShapeDtypeStruct((nblocks, _L, d_model), jnp.float32),
        scratch_types=(
            [pltpu.VMEM((per_w, _L), jnp.int32)]
            + [pltpu.VMEM((_L, d_model), jnp.float32) for _ in range(_N)]
            + [pltpu.SemaphoreType.DMA for _ in range(2 * _N)]
        ),
        compiler_params=pltpu.CompilerParams(use_tc_tiling_on_sc=False),
    )(_embed_body)
    out = fn(tokens2d, W_E)
    return out.reshape(batch, seq, d_model)

# --- scband reference (transcript-rebuilt; emitter-appended) ---
"""Pipeline reference for scband-embed-18442589569916 (READ-ONLY COPY).

The authoritative reference and input builder live on the scoring server;
editing this copy changes nothing except your own understanding.
"""

import jax, jax.numpy as jnp
import numpy as np

D_VOCAB = 1000000
D_MODEL = 64
BATCH = 4096
SEQ = 200

def setup_inputs(seed: int = 0) -> dict:
    key = jax.random.key(seed)
    k1, k2 = jax.random.split(key)
    tokens = jax.random.randint(k1, (BATCH, SEQ), 0, D_VOCAB, dtype=jnp.int64 if jax.config.jax_enable_x64 else jnp.int32)
    W_E = jax.random.normal(k2, (D_VOCAB, D_MODEL), dtype=jnp.float32) * 0.02
    return {"tokens": tokens, "W_E": W_E}

def reference(tokens, W_E):
    # Faithful translation of: return self.W_E[tokens, :]
    return jnp.take(W_E, tokens, axis=0)

if __name__ == "__main__":
    import jax
    _d = setup_inputs()
    print(jax.jit(kernel)(*tuple(_d.values())))

</pallas_src>

<mosaic_0001>
#map = affine_map<(d0, d1) -> (0, 0)>
#map1 = affine_map<(d0, d1) -> (0, 0, 0)>
module attributes {stable_mosaic.version = 14 : i64} {
  func.func @_embed_body(%arg0: i32, %arg1: i32, %arg2: memref<6400x128xi32, #tpu.memory_space<hbm>>, %arg3: memref<1000000x64xf32, #tpu.memory_space<hbm>>, %arg4: memref<6400x128x64xf32, #tpu.memory_space<hbm>>, %arg5: memref<200x128xi32, #tpu.memory_space<vmem>>, %arg6: memref<128x64xf32, #tpu.memory_space<vmem>>, %arg7: memref<128x64xf32, #tpu.memory_space<vmem>>, %arg8: memref<128x64xf32, #tpu.memory_space<vmem>>, %arg9: memref<128x64xf32, #tpu.memory_space<vmem>>, %arg10: memref<128x64xf32, #tpu.memory_space<vmem>>, %arg11: memref<128x64xf32, #tpu.memory_space<vmem>>, %arg12: memref<128x64xf32, #tpu.memory_space<vmem>>, %arg13: memref<128x64xf32, #tpu.memory_space<vmem>>, %arg14: memref<128x64xf32, #tpu.memory_space<vmem>>, %arg15: memref<128x64xf32, #tpu.memory_space<vmem>>, %arg16: memref<!tpu.dma_semaphore, #tpu.memory_space<semaphore_mem>>, %arg17: memref<!tpu.dma_semaphore, #tpu.memory_space<semaphore_mem>>, %arg18: memref<!tpu.dma_semaphore, #tpu.memory_space<semaphore_mem>>, %arg19: memref<!tpu.dma_semaphore, #tpu.memory_space<semaphore_mem>>, %arg20: memref<!tpu.dma_semaphore, #tpu.memory_space<semaphore_mem>>, %arg21: memref<!tpu.dma_semaphore, #tpu.memory_space<semaphore_mem>>, %arg22: memref<!tpu.dma_semaphore, #tpu.memory_space<semaphore_mem>>, %arg23: memref<!tpu.dma_semaphore, #tpu.memory_space<semaphore_mem>>, %arg24: memref<!tpu.dma_semaphore, #tpu.memory_space<semaphore_mem>>, %arg25: memref<!tpu.dma_semaphore, #tpu.memory_space<semaphore_mem>>, %arg26: memref<!tpu.dma_semaphore, #tpu.memory_space<semaphore_mem>>, %arg27: memref<!tpu.dma_semaphore, #tpu.memory_space<semaphore_mem>>, %arg28: memref<!tpu.dma_semaphore, #tpu.memory_space<semaphore_mem>>, %arg29: memref<!tpu.dma_semaphore, #tpu.memory_space<semaphore_mem>>, %arg30: memref<!tpu.dma_semaphore, #tpu.memory_space<semaphore_mem>>, %arg31: memref<!tpu.dma_semaphore, #tpu.memory_space<semaphore_mem>>, %arg32: memref<!tpu.dma_semaphore, #tpu.memory_space<semaphore_mem>>, %arg33: memref<!tpu.dma_semaphore, #tpu.memory_space<semaphore_mem>>, %arg34: memref<!tpu.dma_semaphore, #tpu.memory_space<semaphore_mem>>, %arg35: memref<!tpu.dma_semaphore, #tpu.memory_space<semaphore_mem>>) attributes {dimension_semantics = [#tpu.dimension_semantics<core_parallel>, #tpu.dimension_semantics<subcore_parallel>], iteration_bounds = array<i64: 2, 16>, scalar_prefetch = 0 : i64, scratch_operands = 31 : i64, tpu.core_type = #tpu.core_type<sc_vector_subcore>, window_params = [{transform_indices = #map}, {transform_indices = #map}, {transform_indices = #map1}]} {
    %mul3A = arith.constant 2 : i32
    %mul3A_0 = arith.muli %arg1, %mul3A : i32
    %add3A = arith.addi %mul3A_0, %arg0 : i32
    %mul3A_1 = arith.constant 200 : i32
    %mul3A_2 = arith.muli %add3A, %mul3A_1 : i32
    "tpu.region"() ({
      %run_scoped3A = tpu.sem_alloc : memref<!tpu.dma_semaphore, #tpu.memory_space<semaphore_mem>>
      %dma_start3A_346 = arith.constant 0 : i32
      %dma_start3A_347 = tpu.memref_slice %arg2[%mul3A_2, %dma_start3A_346] : memref<6400x128xi32, #tpu.memory_space<hbm>> -> memref<200x128xi32, #tpu.memory_space<hbm>>
      %dma_start3A_348 = arith.constant 0 : i32
      %dma_start3A_349 = tpu.memref_slice %arg2[%mul3A_2, %dma_start3A_348] : memref<6400x128xi32, #tpu.memory_space<hbm>> -> memref<200x128xi32, #tpu.memory_space<hbm>>
      tpu.enqueue_dma source(%dma_start3A_349 : memref<200x128xi32, #tpu.memory_space<hbm>>) target(%arg5 : memref<200x128xi32, #tpu.memory_space<vmem>>) target_semaphore(%run_scoped3A : memref<!tpu.dma_semaphore, #tpu.memory_space<semaphore_mem>>)
      %dma_wait3A_350 = arith.constant 0 : i32
      %dma_wait3A_351 = tpu.memref_slice %arg2[%mul3A_2, %dma_wait3A_350] : memref<6400x128xi32, #tpu.memory_space<hbm>> -> memref<200x128xi32, #tpu.memory_space<hbm>>
      %dma_wait3A_352 = arith.constant 0 : i32
      %dma_wait3A_353 = tpu.memref_slice %arg2[%mul3A_2, %dma_wait3A_352] : memref<6400x128xi32, #tpu.memory_space<hbm>> -> memref<200x128xi32, #tpu.memory_space<hbm>>
      tpu.wait_dma2 semaphore(%run_scoped3A : memref<!tpu.dma_semaphore, #tpu.memory_space<semaphore_mem>>) src(%dma_wait3A_353 : memref<200x128xi32, #tpu.memory_space<hbm>>) dst(%arg5 : memref<200x128xi32, #tpu.memory_space<vmem>>)
      tpu.yield
    }) : () -> ()
    %dma_start3A = arith.constant 0 : i32
    %dma_start3A_3 = arith.constant 0 : i32
    %dma_start3A_4 = tpu.memref_slice %arg5[%dma_start3A, %dma_start3A_3] : memref<200x128xi32, #tpu.memory_space<vmem>> -> memref<1x128xi32, #tpu.memory_space<vmem>>
    %dma_start3A_5 = tpu.memref_squeeze %dma_start3A_4 : memref<1x128xi32, #tpu.memory_space<vmem>> -> memref<128xi32, #tpu.memory_space<vmem>>
    %dma_start3A_6 = arith.constant 0 : i32
    %dma_start3A_7 = arith.constant 0 : i32
    %dma_start3A_8 = tpu.memref_slice %arg3[%dma_start3A_6, %dma_start3A_7] : memref<1000000x64xf32, #tpu.memory_space<hbm>> -> memref<1000000x64xf32, #tpu.memory_space<hbm>>
    tpu.enqueue_indirect_dma source(%dma_start3A_8 : memref<1000000x64xf32, #tpu.memory_space<hbm>>) target(%arg6 : memref<128x64xf32, #tpu.memory_space<vmem>>) offsets(%dma_start3A_5 : memref<128xi32, #tpu.memory_space<vmem>>) semaphore(%arg16 : memref<!tpu.dma_semaphore, #tpu.memory_space<semaphore_mem>>)
    %dma_start3A_9 = arith.constant 1 : i32
    %dma_start3A_10 = arith.constant 0 : i32
    %dma_start3A_11 = tpu.memref_slice %arg5[%dma_start3A_9, %dma_start3A_10] : memref<200x128xi32, #tpu.memory_space<vmem>> -> memref<1x128xi32, #tpu.memory_space<vmem>>
    %dma_start3A_12 = tpu.memref_squeeze %dma_start3A_11 : memref<1x128xi32, #tpu.memory_space<vmem>> -> memref<128xi32, #tpu.memory_space<vmem>>
    %dma_start3A_13 = arith.constant 0 : i32
    %dma_start3A_14 = arith.constant 0 : i32
    %dma_start3A_15 = tpu.memref_slice %arg3[%dma_start3A_13, %dma_start3A_14] : memref<1000000x64xf32, #tpu.memory_space<hbm>> -> memref<1000000x64xf32, #tpu.memory_space<hbm>>
    tpu.enqueue_indirect_dma source(%dma_start3A_15 : memref<1000000x64xf32, #tpu.memory_space<hbm>>) target(%arg7 : memref<128x64xf32, #tpu.memory_space<vmem>>) offsets(%dma_start3A_12 : memref<128xi32, #tpu.memory_space<vmem>>) semaphore(%arg17 : memref<!tpu.dma_semaphore, #tpu.memory_space<semaphore_mem>>)
    %dma_start3A_16 = arith.constant 2 : i32
    %dma_start3A_17 = arith.constant 0 : i32
    %dma_start3A_18 = tpu.memref_slice %arg5[%dma_start3A_16, %dma_start3A_17] : memref<200x128xi32, #tpu.memory_space<vmem>> -> memref<1x128xi32, #tpu.memory_space<vmem>>
    %dma_start3A_19 = tpu.memref_squeeze %dma_start3A_18 : memref<1x128xi32, #tpu.memory_space<vmem>> -> memref<128xi32, #tpu.memory_space<vmem>>
    %dma_start3A_20 = arith.constant 0 : i32
    %dma_start3A_21 = arith.constant 0 : i32
    %dma_start3A_22 = tpu.memref_slice %arg3[%dma_start3A_20, %dma_start3A_21] : memref<1000000x64xf32, #tpu.memory_space<hbm>> -> memref<1000000x64xf32, #tpu.memory_space<hbm>>
    tpu.enqueue_indirect_dma source(%dma_start3A_22 : memref<1000000x64xf32, #tpu.memory_space<hbm>>) target(%arg8 : memref<128x64xf32, #tpu.memory_space<vmem>>) offsets(%dma_start3A_19 : memref<128xi32, #tpu.memory_space<vmem>>) semaphore(%arg18 : memref<!tpu.dma_semaphore, #tpu.memory_space<semaphore_mem>>)
    %dma_start3A_23 = arith.constant 3 : i32
    %dma_start3A_24 = arith.constant 0 : i32
    %dma_start3A_25 = tpu.memref_slice %arg5[%dma_start3A_23, %dma_start3A_24] : memref<200x128xi32, #tpu.memory_space<vmem>> -> memref<1x128xi32, #tpu.memory_space<vmem>>
    %dma_start3A_26 = tpu.memref_squeeze %dma_start3A_25 : memref<1x128xi32, #tpu.memory_space<vmem>> -> memref<128xi32, #tpu.memory_space<vmem>>
    %dma_start3A_27 = arith.constant 0 : i32
    %dma_start3A_28 = arith.constant 0 : i32
    %dma_start3A_29 = tpu.memref_slice %arg3[%dma_start3A_27, %dma_start3A_28] : memref<1000000x64xf32, #tpu.memory_space<hbm>> -> memref<1000000x64xf32, #tpu.memory_space<hbm>>
    tpu.enqueue_indirect_dma source(%dma_start3A_29 : memref<1000000x64xf32, #tpu.memory_space<hbm>>) target(%arg9 : memref<128x64xf32, #tpu.memory_space<vmem>>) offsets(%dma_start3A_26 : memref<128xi32, #tpu.memory_space<vmem>>) semaphore(%arg19 : memref<!tpu.dma_semaphore, #tpu.memory_space<semaphore_mem>>)
    %dma_start3A_30 = arith.constant 4 : i32
    %dma_start3A_31 = arith.constant 0 : i32
    %dma_start3A_32 = tpu.memref_slice %arg5[%dma_start3A_30, %dma_start3A_31] : memref<200x128xi32, #tpu.memory_space<vmem>> -> memref<1x128xi32, #tpu.memory_space<vmem>>
    %dma_start3A_33 = tpu.memref_squeeze %dma_start3A_32 : memref<1x128xi32, #tpu.memory_space<vmem>> -> memref<128xi32, #tpu.memory_space<vmem>>
    %dma_start3A_34 = arith.constant 0 : i32
    %dma_start3A_35 = arith.constant 0 : i32
    %dma_start3A_36 = tpu.memref_slice %arg3[%dma_start3A_34, %dma_start3A_35] : memref<1000000x64xf32, #tpu.memory_space<hbm>> -> memref<1000000x64xf32, #tpu.memory_space<hbm>>
    tpu.enqueue_indirect_dma source(%dma_start3A_36 : memref<1000000x64xf32, #tpu.memory_space<hbm>>) target(%arg10 : memref<128x64xf32, #tpu.memory_space<vmem>>) offsets(%dma_start3A_33 : memref<128xi32, #tpu.memory_space<vmem>>) semaphore(%arg20 : memref<!tpu.dma_semaphore, #tpu.memory_space<semaphore_mem>>)
    %dma_start3A_37 = arith.constant 5 : i32
    %dma_start3A_38 = arith.constant 0 : i32
    %dma_start3A_39 = tpu.memref_slice %arg5[%dma_start3A_37, %dma_start3A_38] : memref<200x128xi32, #tpu.memory_space<vmem>> -> memref<1x128xi32, #tpu.memory_space<vmem>>
    %dma_start3A_40 = tpu.memref_squeeze %dma_start3A_39 : memref<1x128xi32, #tpu.memory_space<vmem>> -> memref<128xi32, #tpu.memory_space<vmem>>
    %dma_start3A_41 = arith.constant 0 : i32
    %dma_start3A_42 = arith.constant 0 : i32
    %dma_start3A_43 = tpu.memref_slice %arg3[%dma_start3A_41, %dma_start3A_42] : memref<1000000x64xf32, #tpu.memory_space<hbm>> -> memref<1000000x64xf32, #tpu.memory_space<hbm>>
    tpu.enqueue_indirect_dma source(%dma_start3A_43 : memref<1000000x64xf32, #tpu.memory_space<hbm>>) target(%arg11 : memref<128x64xf32, #tpu.memory_space<vmem>>) offsets(%dma_start3A_40 : memref<128xi32, #tpu.memory_space<vmem>>) semaphore(%arg21 : memref<!tpu.dma_semaphore, #tpu.memory_space<semaphore_mem>>)
    %dma_start3A_44 = arith.constant 6 : i32
    %dma_start3A_45 = arith.constant 0 : i32
    %dma_start3A_46 = tpu.memref_slice %arg5[%dma_start3A_44, %dma_start3A_45] : memref<200x128xi32, #tpu.memory_space<vmem>> -> memref<1x128xi32, #tpu.memory_space<vmem>>
    %dma_start3A_47 = tpu.memref_squeeze %dma_start3A_46 : memref<1x128xi32, #tpu.memory_space<vmem>> -> memref<128xi32, #tpu.memory_space<vmem>>
    %dma_start3A_48 = arith.constant 0 : i32
    %dma_start3A_49 = arith.constant 0 : i32
    %dma_start3A_50 = tpu.memref_slice %arg3[%dma_start3A_48, %dma_start3A_49] : memref<1000000x64xf32, #tpu.memory_space<hbm>> -> memref<1000000x64xf32, #tpu.memory_space<hbm>>
    tpu.enqueue_indirect_dma source(%dma_start3A_50 : memref<1000000x64xf32, #tpu.memory_space<hbm>>) target(%arg12 : memref<128x64xf32, #tpu.memory_space<vmem>>) offsets(%dma_start3A_47 : memref<128xi32, #tpu.memory_space<vmem>>) semaphore(%arg22 : memref<!tpu.dma_semaphore, #tpu.memory_space<semaphore_mem>>)
    %dma_start3A_51 = arith.constant 7 : i32
    %dma_start3A_52 = arith.constant 0 : i32
    %dma_start3A_53 = tpu.memref_slice %arg5[%dma_start3A_51, %dma_start3A_52] : memref<200x128xi32, #tpu.memory_space<vmem>> -> memref<1x128xi32, #tpu.memory_space<vmem>>
    %dma_start3A_54 = tpu.memref_squeeze %dma_start3A_53 : memref<1x128xi32, #tpu.memory_space<vmem>> -> memref<128xi32, #tpu.memory_space<vmem>>
    %dma_start3A_55 = arith.constant 0 : i32
    %dma_start3A_56 = arith.constant 0 : i32
    %dma_start3A_57 = tpu.memref_slice %arg3[%dma_start3A_55, %dma_start3A_56] : memref<1000000x64xf32, #tpu.memory_space<hbm>> -> memref<1000000x64xf32, #tpu.memory_space<hbm>>
    tpu.enqueue_indirect_dma source(%dma_start3A_57 : memref<1000000x64xf32, #tpu.memory_space<hbm>>) target(%arg13 : memref<128x64xf32, #tpu.memory_space<vmem>>) offsets(%dma_start3A_54 : memref<128xi32, #tpu.memory_space<vmem>>) semaphore(%arg23 : memref<!tpu.dma_semaphore, #tpu.memory_space<semaphore_mem>>)
    %dma_start3A_58 = arith.constant 8 : i32
    %dma_start3A_59 = arith.constant 0 : i32
    %dma_start3A_60 = tpu.memref_slice %arg5[%dma_start3A_58, %dma_start3A_59] : memref<200x128xi32, #tpu.memory_space<vmem>> -> memref<1x128xi32, #tpu.memory_space<vmem>>
    %dma_start3A_61 = tpu.memref_squeeze %dma_start3A_60 : memref<1x128xi32, #tpu.memory_space<vmem>> -> memref<128xi32, #tpu.memory_space<vmem>>
    %dma_start3A_62 = arith.constant 0 : i32
    %dma_start3A_63 = arith.constant 0 : i32
    %dma_start3A_64 = tpu.memref_slice %arg3[%dma_start3A_62, %dma_start3A_63] : memref<1000000x64xf32, #tpu.memory_space<hbm>> -> memref<1000000x64xf32, #tpu.memory_space<hbm>>
    tpu.enqueue_indirect_dma source(%dma_start3A_64 : memref<1000000x64xf32, #tpu.memory_space<hbm>>) target(%arg14 : memref<128x64xf32, #tpu.memory_space<vmem>>) offsets(%dma_start3A_61 : memref<128xi32, #tpu.memory_space<vmem>>) semaphore(%arg24 : memref<!tpu.dma_semaphore, #tpu.memory_space<semaphore_mem>>)
    %dma_start3A_65 = arith.constant 9 : i32
    %dma_start3A_66 = arith.constant 0 : i32
    %dma_start3A_67 = tpu.memref_slice %arg5[%dma_start3A_65, %dma_start3A_66] : memref<200x128xi32, #tpu.memory_space<vmem>> -> memref<1x128xi32, #tpu.memory_space<vmem>>
    %dma_start3A_68 = tpu.memref_squeeze %dma_start3A_67 : memref<1x128xi32, #tpu.memory_space<vmem>> -> memref<128xi32, #tpu.memory_space<vmem>>
    %dma_start3A_69 = arith.constant 0 : i32
    %dma_start3A_70 = arith.constant 0 : i32
    %dma_start3A_71 = tpu.memref_slice %arg3[%dma_start3A_69, %dma_start3A_70] : memref<1000000x64xf32, #tpu.memory_space<hbm>> -> memref<1000000x64xf32, #tpu.memory_space<hbm>>
    tpu.enqueue_indirect_dma source(%dma_start3A_71 : memref<1000000x64xf32, #tpu.memory_space<hbm>>) target(%arg15 : memref<128x64xf32, #tpu.memory_space<vmem>>) offsets(%dma_start3A_68 : memref<128xi32, #tpu.memory_space<vmem>>) semaphore(%arg25 : memref<!tpu.dma_semaphore, #tpu.memory_space<semaphore_mem>>)
    %dma_wait3A = arith.constant 0 : i32
    %dma_wait3A_72 = arith.constant 0 : i32
    %dma_wait3A_73 = tpu.memref_slice %arg5[%dma_wait3A, %dma_wait3A_72] : memref<200x128xi32, #tpu.memory_space<vmem>> -> memref<1x128xi32, #tpu.memory_space<vmem>>
    %dma_wait3A_74 = tpu.memref_squeeze %dma_wait3A_73 : memref<1x128xi32, #tpu.memory_space<vmem>> -> memref<128xi32, #tpu.memory_space<vmem>>
    %dma_wait3A_75 = arith.constant 0 : i32
    %dma_wait3A_76 = arith.constant 0 : i32
    %dma_wait3A_77 = tpu.memref_slice %arg3[%dma_wait3A_75, %dma_wait3A_76] : memref<1000000x64xf32, #tpu.memory_space<hbm>> -> memref<1000000x64xf32, #tpu.memory_space<hbm>>
    tpu.wait_indirect_dma semaphore(%arg16 : memref<!tpu.dma_semaphore, #tpu.memory_space<semaphore_mem>>) src(%dma_wait3A_77 : memref<1000000x64xf32, #tpu.memory_space<hbm>>) dst(%arg6 : memref<128x64xf32, #tpu.memory_space<vmem>>)
    %add3A_78 = arith.constant 0 : i32
    %add3A_79 = arith.addi %mul3A_2, %add3A_78 : i32
    %dma_start3A_80 = arith.constant 0 : i32
    %dma_start3A_81 = arith.constant 0 : i32
    %dma_start3A_82 = tpu.memref_slice %arg4[%add3A_79, %dma_start3A_80, %dma_start3A_81] : memref<6400x128x64xf32, #tpu.memory_space<hbm>> -> memref<1x128x64xf32, #tpu.memory_space<hbm>>
    %dma_start3A_83 = tpu.memref_squeeze %dma_start3A_82 : memref<1x128x64xf32, #tpu.memory_space<hbm>> -> memref<128x64xf32, #tpu.memory_space<hbm>>
    %dma_start3A_84 = arith.constant 0 : i32
    %dma_start3A_85 = arith.constant 0 : i32
    %dma_start3A_86 = tpu.memref_slice %arg4[%add3A_79, %dma_start3A_84, %dma_start3A_85] : memref<6400x128x64xf32, #tpu.memory_space<hbm>> -> memref<1x128x64xf32, #tpu.memory_space<hbm>>
    %dma_start3A_87 = tpu.memref_squeeze %dma_start3A_86 : memref<1x128x64xf32, #tpu.memory_space<hbm>> -> memref<128x64xf32, #tpu.memory_space<hbm>>
    tpu.enqueue_dma source(%arg6 : memref<128x64xf32, #tpu.memory_space<vmem>>) target(%dma_start3A_87 : memref<128x64xf32, #tpu.memory_space<hbm>>) target_semaphore(%arg26 : memref<!tpu.dma_semaphore, #tpu.memory_space<semaphore_mem>>)
    %dma_wait3A_88 = arith.constant 1 : i32
    %dma_wait3A_89 = arith.constant 0 : i32
    %dma_wait3A_90 = tpu.memref_slice %arg5[%dma_wait3A_88, %dma_wait3A_89] : memref<200x128xi32, #tpu.memory_space<vmem>> -> memref<1x128xi32, #tpu.memory_space<vmem>>
    %dma_wait3A_91 = tpu.memref_squeeze %dma_wait3A_90 : memref<1x128xi32, #tpu.memory_space<vmem>> -> memref<128xi32, #tpu.memory_space<vmem>>
    %dma_wait3A_92 = arith.constant 0 : i32
    %dma_wait3A_93 = arith.constant 0 : i32
    %dma_wait3A_94 = tpu.memref_slice %arg3[%dma_wait3A_92, %dma_wait3A_93] : memref<1000000x64xf32, #tpu.memory_space<hbm>> -> memref<1000000x64xf32, #tpu.memory_space<hbm>>
    tpu.wait_indirect_dma semaphore(%arg17 : memref<!tpu.dma_semaphore, #tpu.memory_space<semaphore_mem>>) src(%dma_wait3A_94 : memref<1000000x64xf32, #tpu.memory_space<hbm>>) dst(%arg7 : memref<128x64xf32, #tpu.memory_space<vmem>>)
    %add3A_95 = arith.constant 1 : i32
    %add3A_96 = arith.addi %mul3A_2, %add3A_95 : i32
    %dma_start3A_97 = arith.constant 0 : i32
    %dma_start3A_98 = arith.constant 0 : i32
    %dma_start3A_99 = tpu.memref_slice %arg4[%add3A_96, %dma_start3A_97, %dma_start3A_98] : memref<6400x128x64xf32, #tpu.memory_space<hbm>> -> memref<1x128x64xf32, #tpu.memory_space<hbm>>
    %dma_start3A_100 = tpu.memref_squeeze %dma_start3A_99 : memref<1x128x64xf32, #tpu.memory_space<hbm>> -> memref<128x64xf32, #tpu.memory_space<hbm>>
    %dma_start3A_101 = arith.constant 0 : i32
    %dma_start3A_102 = arith.constant 0 : i32
    %dma_start3A_103 = tpu.memref_slice %arg4[%add3A_96, %dma_start3A_101, %dma_start3A_102] : memref<6400x128x64xf32, #tpu.memory_space<hbm>> -> memref<1x128x64xf32, #tpu.memory_space<hbm>>
    %dma_start3A_104 = tpu.memref_squeeze %dma_start3A_103 : memref<1x128x64xf32, #tpu.memory_space<hbm>> -> memref<128x64xf32, #tpu.memory_space<hbm>>
    tpu.enqueue_dma source(%arg7 : memref<128x64xf32, #tpu.memory_space<vmem>>) target(%dma_start3A_104 : memref<128x64xf32, #tpu.memory_space<hbm>>) target_semaphore(%arg27 : memref<!tpu.dma_semaphore, #tpu.memory_space<semaphore_mem>>)
    %dma_wait3A_105 = arith.constant 2 : i32
    %dma_wait3A_106 = arith.constant 0 : i32
    %dma_wait3A_107 = tpu.memref_slice %arg5[%dma_wait3A_105, %dma_wait3A_106] : memref<200x128xi32, #tpu.memory_space<vmem>> -> memref<1x128xi32, #tpu.memory_space<vmem>>
    %dma_wait3A_108 = tpu.memref_squeeze %dma_wait3A_107 : memref<1x128xi32, #tpu.memory_space<vmem>> -> memref<128xi32, #tpu.memory_space<vmem>>
    %dma_wait3A_109 = arith.constant 0 : i32
    %dma_wait3A_110 = arith.constant 0 : i32
    %dma_wait3A_111 = tpu.memref_slice %arg3[%dma_wait3A_109, %dma_wait3A_110] : memref<1000000x64xf32, #tpu.memory_space<hbm>> -> memref<1000000x64xf32, #tpu.memory_space<hbm>>
    tpu.wait_indirect_dma semaphore(%arg18 : memref<!tpu.dma_semaphore, #tpu.memory_space<semaphore_mem>>) src(%dma_wait3A_111 : memref<1000000x64xf32, #tpu.memory_space<hbm>>) dst(%arg8 : memref<128x64xf32, #tpu.memory_space<vmem>>)
    %add3A_112 = arith.constant 2 : i32
    %add3A_113 = arith.addi %mul3A_2, %add3A_112 : i32
    %dma_start3A_114 = arith.constant 0 : i32
    %dma_start3A_115 = arith.constant 0 : i32
    %dma_start3A_116 = tpu.memref_slice %arg4[%add3A_113, %dma_start3A_114, %dma_start3A_115] : memref<6400x128x64xf32, #tpu.memory_space<hbm>> -> memref<1x128x64xf32, #tpu.memory_space<hbm>>
    %dma_start3A_117 = tpu.memref_squeeze %dma_start3A_116 : memref<1x128x64xf32, #tpu.memory_space<hbm>> -> memref<128x64xf32, #tpu.memory_space<hbm>>
    %dma_start3A_118 = arith.constant 0 : i32
    %dma_start3A_119 = arith.constant 0 : i32
    %dma_start3A_120 = tpu.memref_slice %arg4[%add3A_113, %dma_start3A_118, %dma_start3A_119] : memref<6400x128x64xf32, #tpu.memory_space<hbm>> -> memref<1x128x64xf32, #tpu.memory_space<hbm>>
    %dma_start3A_121 = tpu.memref_squeeze %dma_start3A_120 : memref<1x128x64xf32, #tpu.memory_space<hbm>> -> memref<128x64xf32, #tpu.memory_space<hbm>>
    tpu.enqueue_dma source(%arg8 : memref<128x64xf32, #tpu.memory_space<vmem>>) target(%dma_start3A_121 : memref<128x64xf32, #tpu.memory_space<hbm>>) target_semaphore(%arg28 : memref<!tpu.dma_semaphore, #tpu.memory_space<semaphore_mem>>)
    %dma_wait3A_122 = arith.constant 3 : i32
    %dma_wait3A_123 = arith.constant 0 : i32
    %dma_wait3A_124 = tpu.memref_slice %arg5[%dma_wait3A_122, %dma_wait3A_123] : memref<200x128xi32, #tpu.memory_space<vmem>> -> memref<1x128xi32, #tpu.memory_space<vmem>>
    %dma_wait3A_125 = tpu.memref_squeeze %dma_wait3A_124 : memref<1x128xi32, #tpu.memory_space<vmem>> -> memref<128xi32, #tpu.memory_space<vmem>>
    %dma_wait3A_126 = arith.constant 0 : i32
    %dma_wait3A_127 = arith.constant 0 : i32
    %dma_wait3A_128 = tpu.memref_slice %arg3[%dma_wait3A_126, %dma_wait3A_127] : memref<1000000x64xf32, #tpu.memory_space<hbm>> -> memref<1000000x64xf32, #tpu.memory_space<hbm>>
    tpu.wait_indirect_dma semaphore(%arg19 : memref<!tpu.dma_semaphore, #tpu.memory_space<semaphore_mem>>) src(%dma_wait3A_128 : memref<1000000x64xf32, #tpu.memory_space<hbm>>) dst(%arg9 : memref<128x64xf32, #tpu.memory_space<vmem>>)
    %add3A_129 = arith.constant 3 : i32
    %add3A_130 = arith.addi %mul3A_2, %add3A_129 : i32
    %dma_start3A_131 = arith.constant 0 : i32
    %dma_start3A_132 = arith.constant 0 : i32
    %dma_start3A_133 = tpu.memref_slice %arg4[%add3A_130, %dma_start3A_131, %dma_start3A_132] : memref<6400x128x64xf32, #tpu.memory_space<hbm>> -> memref<1x128x64xf32, #tpu.memory_space<hbm>>
    %dma_start3A_134 = tpu.memref_squeeze %dma_start3A_133 : memref<1x128x64xf32, #tpu.memory_space<hbm>> -> memref<128x64xf32, #tpu.memory_space<hbm>>
    %dma_start3A_135 = arith.constant 0 : i32
    %dma_start3A_136 = arith.constant 0 : i32
    %dma_start3A_137 = tpu.memref_slice %arg4[%add3A_130, %dma_start3A_135, %dma_start3A_136] : memref<6400x128x64xf32, #tpu.memory_space<hbm>> -> memref<1x128x64xf32, #tpu.memory_space<hbm>>
    %dma_start3A_138 = tpu.memref_squeeze %dma_start3A_137 : memref<1x128x64xf32, #tpu.memory_space<hbm>> -> memref<128x64xf32, #tpu.memory_space<hbm>>
    tpu.enqueue_dma source(%arg9 : memref<128x64xf32, #tpu.memory_space<vmem>>) target(%dma_start3A_138 : memref<128x64xf32, #tpu.memory_space<hbm>>) target_semaphore(%arg29 : memref<!tpu.dma_semaphore, #tpu.memory_space<semaphore_mem>>)
    %dma_wait3A_139 = arith.constant 4 : i32
    %dma_wait3A_140 = arith.constant 0 : i32
    %dma_wait3A_141 = tpu.memref_slice %arg5[%dma_wait3A_139, %dma_wait3A_140] : memref<200x128xi32, #tpu.memory_space<vmem>> -> memref<1x128xi32, #tpu.memory_space<vmem>>
    %dma_wait3A_142 = tpu.memref_squeeze %dma_wait3A_141 : memref<1x128xi32, #tpu.memory_space<vmem>> -> memref<128xi32, #tpu.memory_space<vmem>>
    %dma_wait3A_143 = arith.constant 0 : i32
    %dma_wait3A_144 = arith.constant 0 : i32
    %dma_wait3A_145 = tpu.memref_slice %arg3[%dma_wait3A_143, %dma_wait3A_144] : memref<1000000x64xf32, #tpu.memory_space<hbm>> -> memref<1000000x64xf32, #tpu.memory_space<hbm>>
    tpu.wait_indirect_dma semaphore(%arg20 : memref<!tpu.dma_semaphore, #tpu.memory_space<semaphore_mem>>) src(%dma_wait3A_145 : memref<1000000x64xf32, #tpu.memory_space<hbm>>) dst(%arg10 : memref<128x64xf32, #tpu.memory_space<vmem>>)
    %add3A_146 = arith.constant 4 : i32
    %add3A_147 = arith.addi %mul3A_2, %add3A_146 : i32
    %dma_start3A_148 = arith.constant 0 : i32
    %dma_start3A_149 = arith.constant 0 : i32
    %dma_start3A_150 = tpu.memref_slice %arg4[%add3A_147, %dma_start3A_148, %dma_start3A_149] : memref<6400x128x64xf32, #tpu.memory_space<hbm>> -> memref<1x128x64xf32, #tpu.memory_space<hbm>>
    %dma_start3A_151 = tpu.memref_squeeze %dma_start3A_150 : memref<1x128x64xf32, #tpu.memory_space<hbm>> -> memref<128x64xf32, #tpu.memory_space<hbm>>
    %dma_start3A_152 = arith.constant 0 : i32
    %dma_start3A_153 = arith.constant 0 : i32
    %dma_start3A_154 = tpu.memref_slice %arg4[%add3A_147, %dma_start3A_152, %dma_start3A_153] : memref<6400x128x64xf32, #tpu.memory_space<hbm>> -> memref<1x128x64xf32, #tpu.memory_space<hbm>>
    %dma_start3A_155 = tpu.memref_squeeze %dma_start3A_154 : memref<1x128x64xf32, #tpu.memory_space<hbm>> -> memref<128x64xf32, #tpu.memory_space<hbm>>
    tpu.enqueue_dma source(%arg10 : memref<128x64xf32, #tpu.memory_space<vmem>>) target(%dma_start3A_155 : memref<128x64xf32, #tpu.memory_space<hbm>>) target_semaphore(%arg30 : memref<!tpu.dma_semaphore, #tpu.memory_space<semaphore_mem>>)
    %scan3A = arith.constant 0 : i32
    %scan3A_156 = arith.constant 0 : i32
    %scan3A_157 = arith.constant 19 : i32
    %scan3A_158 = arith.addi %scan3A_156, %scan3A_157 : i32
    %scan3A_159 = arith.constant 1 : i32
    scf.for %scan3A_346 = %scan3A_156 to %scan3A_158 step %scan3A_159  : i32 {
      %mul3A_347 = arith.constant 10 : i32
      %mul3A_348 = arith.muli %scan3A_346, %mul3A_347 : i32
      %add3A_349 = arith.constant 10 : i32
      %add3A_350 = arith.addi %add3A_349, %mul3A_348 : i32
      %add3A_351 = arith.constant 0 : i32
      %add3A_352 = arith.addi %add3A_350, %add3A_351 : i32
      %sub3A = arith.constant 5 : i32
      %sub3A_353 = arith.subi %add3A_352, %sub3A : i32
      %dma_wait3A_354 = arith.constant 0 : i32
      %dma_wait3A_355 = tpu.memref_slice %arg5[%sub3A_353, %dma_wait3A_354] : memref<200x128xi32, #tpu.memory_space<vmem>> -> memref<1x128xi32, #tpu.memory_space<vmem>>
      %dma_wait3A_356 = tpu.memref_squeeze %dma_wait3A_355 : memref<1x128xi32, #tpu.memory_space<vmem>> -> memref<128xi32, #tpu.memory_space<vmem>>
      %dma_wait3A_357 = arith.constant 0 : i32
      %dma_wait3A_358 = arith.constant 0 : i32
      %dma_wait3A_359 = tpu.memref_slice %arg3[%dma_wait3A_357, %dma_wait3A_358] : memref<1000000x64xf32, #tpu.memory_space<hbm>> -> memref<1000000x64xf32, #tpu.memory_space<hbm>>
      tpu.wait_indirect_dma semaphore(%arg21 : memref<!tpu.dma_semaphore, #tpu.memory_space<semaphore_mem>>) src(%dma_wait3A_359 : memref<1000000x64xf32, #tpu.memory_space<hbm>>) dst(%arg11 : memref<128x64xf32, #tpu.memory_space<vmem>>)
      %add3A_360 = arith.addi %mul3A_2, %sub3A_353 : i32
      %dma_start3A_361 = arith.constant 0 : i32
      %dma_start3A_362 = arith.constant 0 : i32
      %dma_start3A_363 = tpu.memref_slice %arg4[%add3A_360, %dma_start3A_361, %dma_start3A_362] : memref<6400x128x64xf32, #tpu.memory_space<hbm>> -> memref<1x128x64xf32, #tpu.memory_space<hbm>>
      %dma_start3A_364 = tpu.memref_squeeze %dma_start3A_363 : memref<1x128x64xf32, #tpu.memory_space<hbm>> -> memref<128x64xf32, #tpu.memory_space<hbm>>
      %dma_start3A_365 = arith.constant 0 : i32
      %dma_start3A_366 = arith.constant 0 : i32
      %dma_start3A_367 = tpu.memref_slice %arg4[%add3A_360, %dma_start3A_365, %dma_start3A_366] : memref<6400x128x64xf32, #tpu.memory_space<hbm>> -> memref<1x128x64xf32, #tpu.memory_space<hbm>>
      %dma_start3A_368 = tpu.memref_squeeze %dma_start3A_367 : memref<1x128x64xf32, #tpu.memory_space<hbm>> -> memref<128x64xf32, #tpu.memory_space<hbm>>
      tpu.enqueue_dma source(%arg11 : memref<128x64xf32, #tpu.memory_space<vmem>>) target(%dma_start3A_368 : memref<128x64xf32, #tpu.memory_space<hbm>>) target_semaphore(%arg31 : memref<!tpu.dma_semaphore, #tpu.memory_space<semaphore_mem>>)
      %sub3A_369 = arith.constant 10 : i32
      %sub3A_370 = arith.subi %add3A_352, %sub3A_369 : i32
      %add3A_371 = arith.addi %mul3A_2, %sub3A_370 : i32
      %dma_wait3A_372 = arith.constant 0 : i32
      %dma_wait3A_373 = arith.constant 0 : i32
      %dma_wait3A_374 = tpu.memref_slice %arg4[%add3A_371, %dma_wait3A_372, %dma_wait3A_373] : memref<6400x128x64xf32, #tpu.memory_space<hbm>> -> memref<1x128x64xf32, #tpu.memory_space<hbm>>
      %dma_wait3A_375 = tpu.memref_squeeze %dma_wait3A_374 : memref<1x128x64xf32, #tpu.memory_space<hbm>> -> memref<128x64xf32, #tpu.memory_space<hbm>>
      %dma_wait3A_376 = arith.constant 0 : i32
      %dma_wait3A_377 = arith.constant 0 : i32
      %dma_wait3A_378 = tpu.memref_slice %arg4[%add3A_371, %dma_wait3A_376, %dma_wait3A_377] : memref<6400x128x64xf32, #tpu.memory_space<hbm>> -> memref<1x128x64xf32, #tpu.memory_space<hbm>>
      %dma_wait3A_379 = tpu.memref_squeeze %dma_wait3A_378 : memref<1x128x64xf32, #tpu.memory_space<hbm>> -> memref<128x64xf32, #tpu.memory_space<hbm>>
      tpu.wait_dma2 semaphore(%arg26 : memref<!tpu.dma_semaphore, #tpu.memory_space<semaphore_mem>>) src(%arg6 : memref<128x64xf32, #tpu.memory_space<vmem>>) dst(%dma_wait3A_379 : memref<128x64xf32, #tpu.memory_space<hbm>>)
      %dma_start3A_380 = arith.constant 0 : i32
      %dma_start3A_381 = tpu.memref_slice %arg5[%add3A_352, %dma_start3A_380] : memref<200x128xi32, #tpu.memory_space<vmem>> -> memref<1x128xi32, #tpu.memory_space<vmem>>
      %dma_start3A_382 = tpu.memref_squeeze %dma_start3A_381 : memref<1x128xi32, #tpu.memory_space<vmem>> -> memref<128xi32, #tpu.memory_space<vmem>>
      %dma_start3A_383 = arith.constant 0 : i32
      %dma_start3A_384 = arith.constant 0 : i32
      %dma_start3A_385 = tpu.memref_slice %arg3[%dma_start3A_383, %dma_start3A_384] : memref<1000000x64xf32, #tpu.memory_space<hbm>> -> memref<1000000x64xf32, #tpu.memory_space<hbm>>
      tpu.enqueue_indirect_dma source(%dma_start3A_385 : memref<1000000x64xf32, #tpu.memory_space<hbm>>) target(%arg6 : memref<128x64xf32, #tpu.memory_space<vmem>>) offsets(%dma_start3A_382 : memref<128xi32, #tpu.memory_space<vmem>>) semaphore(%arg16 : memref<!tpu.dma_semaphore, #tpu.memory_space<semaphore_mem>>)
      %add3A_386 = arith.constant 1 : i32
      %add3A_387 = arith.addi %add3A_350, %add3A_386 : i32
      %sub3A_388 = arith.constant 5 : i32
      %sub3A_389 = arith.subi %add3A_387, %sub3A_388 : i32
      %dma_wait3A_390 = arith.constant 0 : i32
      %dma_wait3A_391 = tpu.memref_slice %arg5[%sub3A_389, %dma_wait3A_390] : memref<200x128xi32, #tpu.memory_space<vmem>> -> memref<1x128xi32, #tpu.memory_space<vmem>>
      %dma_wait3A_392 = tpu.memref_squeeze %dma_wait3A_391 : memref<1x128xi32, #tpu.memory_space<vmem>> -> memref<128xi32, #tpu.memory_space<vmem>>
      %dma_wait3A_393 = arith.constant 0 : i32
      %dma_wait3A_394 = arith.constant 0 : i32
      %dma_wait3A_395 = tpu.memref_slice %arg3[%dma_wait3A_393, %dma_wait3A_394] : memref<1000000x64xf32, #tpu.memory_space<hbm>> -> memref<1000000x64xf32, #tpu.memory_space<hbm>>
      tpu.wait_indirect_dma semaphore(%arg22 : memref<!tpu.dma_semaphore, #tpu.memory_space<semaphore_mem>>) src(%dma_wait3A_395 : memref<1000000x64xf32, #tpu.memory_space<hbm>>) dst(%arg12 : memref<128x64xf32, #tpu.memory_space<vmem>>)
      %add3A_396 = arith.addi %mul3A_2, %sub3A_389 : i32
      %dma_start3A_397 = arith.constant 0 : i32
      %dma_start3A_398 = arith.constant 0 : i32
      %dma_start3A_399 = tpu.memref_slice %arg4[%add3A_396, %dma_start3A_397, %dma_start3A_398] : memref<6400x128x64xf32, #tpu.memory_space<hbm>> -> memref<1x128x64xf32, #tpu.memory_space<hbm>>
      %dma_start3A_400 = tpu.memref_squeeze %dma_start3A_399 : memref<1x128x64xf32, #tpu.memory_space<hbm>> -> memref<128x64xf32, #tpu.memory_space<hbm>>
      %dma_start3A_401 = arith.constant 0 : i32
      %dma_start3A_402 = arith.constant 0 : i32
      %dma_start3A_403 = tpu.memref_slice %arg4[%add3A_396, %dma_start3A_401, %dma_start3A_402] : memref<6400x128x64xf32, #tpu.memory_space<hbm>> -> memref<1x128x64xf32, #tpu.memory_space<hbm>>
      %dma_start3A_404 = tpu.memref_squeeze %dma_start3A_403 : memref<1x128x64xf32, #tpu.memory_space<hbm>> -> memref<128x64xf32, #tpu.memory_space<hbm>>
      tpu.enqueue_dma source(%arg12 : memref<128x64xf32, #tpu.memory_space<vmem>>) target(%dma_start3A_404 : memref<128x64xf32, #tpu.memory_space<hbm>>) target_semaphore(%arg32 : memref<!tpu.dma_semaphore, #tpu.memory_space<semaphore_mem>>)
      %sub3A_405 = arith.constant 10 : i32
      %sub3A_406 = arith.subi %add3A_387, %sub3A_405 : i32
      %add3A_407 = arith.addi %mul3A_2, %sub3A_406 : i32
      %dma_wait3A_408 = arith.constant 0 : i32
      %dma_wait3A_409 = arith.constant 0 : i32
      %dma_wait3A_410 = tpu.memref_slice %arg4[%add3A_407, %dma_wait3A_408, %dma_wait3A_409] : memref<6400x128x64xf32, #tpu.memory_space<hbm>> -> memref<1x128x64xf32, #tpu.memory_space<hbm>>
      %dma_wait3A_411 = tpu.memref_squeeze %dma_wait3A_410 : memref<1x128x64xf32, #tpu.memory_space<hbm>> -> memref<128x64xf32, #tpu.memory_space<hbm>>
      %dma_wait3A_412 = arith.constant 0 : i32
      %dma_wait3A_413 = arith.constant 0 : i32
      %dma_wait3A_414 = tpu.memref_slice %arg4[%add3A_407, %dma_wait3A_412, %dma_wait3A_413] : memref<6400x128x64xf32, #tpu.memory_space<hbm>> -> memref<1x128x64xf32, #tpu.memory_space<hbm>>
      %dma_wait3A_415 = tpu.memref_squeeze %dma_wait3A_414 : memref<1x128x64xf32, #tpu.memory_space<hbm>> -> memref<128x64xf32, #tpu.memory_space<hbm>>
      tpu.wait_dma2 semaphore(%arg27 : memref<!tpu.dma_semaphore, #tpu.memory_space<semaphore_mem>>) src(%arg7 : memref<128x64xf32, #tpu.memory_space<vmem>>) dst(%dma_wait3A_415 : memref<128x64xf32, #tpu.memory_space<hbm>>)
      %dma_start3A_416 = arith.constant 0 : i32
      %dma_start3A_417 = tpu.memref_slice %arg5[%add3A_387, %dma_start3A_416] : memref<200x128xi32, #tpu.memory_space<vmem>> -> memref<1x128xi32, #tpu.memory_space<vmem>>
      %dma_start3A_418 = tpu.memref_squeeze %dma_start3A_417 : memref<1x128xi32, #tpu.memory_space<vmem>> -> memref<128xi32, #tpu.memory_space<vmem>>
      %dma_start3A_419 = arith.constant 0 : i32
      %dma_start3A_420 = arith.constant 0 : i32
      %dma_start3A_421 = tpu.memref_slice %arg3[%dma_start3A_419, %dma_start3A_420] : memref<1000000x64xf32, #tpu.memory_space<hbm>> -> memref<1000000x64xf32, #tpu.memory_space<hbm>>
      tpu.enqueue_indirect_dma source(%dma_start3A_421 : memref<1000000x64xf32, #tpu.memory_space<hbm>>) target(%arg7 : memref<128x64xf32, #tpu.memory_space<vmem>>) offsets(%dma_start3A_418 : memref<128xi32, #tpu.memory_space<vmem>>) semaphore(%arg17 : memref<!tpu.dma_semaphore, #tpu.memory_space<semaphore_mem>>)
      %add3A_422 = arith.constant 2 : i32
      %add3A_423 = arith.addi %add3A_350, %add3A_422 : i32
      %sub3A_424 = arith.constant 5 : i32
      %sub3A_425 = arith.subi %add3A_423, %sub3A_424 : i32
      %dma_wait3A_426 = arith.constant 0 : i32
      %dma_wait3A_427 = tpu.memref_slice %arg5[%sub3A_425, %dma_wait3A_426] : memref<200x128xi32, #tpu.memory_space<vmem>> -> memref<1x128xi32, #tpu.memory_space<vmem>>
      %dma_wait3A_428 = tpu.memref_squeeze %dma_wait3A_427 : memref<1x128xi32, #tpu.memory_space<vmem>> -> memref<128xi32, #tpu.memory_space<vmem>>
      %dma_wait3A_429 = arith.constant 0 : i32
      %dma_wait3A_430 = arith.constant 0 : i32
      %dma_wait3A_431 = tpu.memref_slice %arg3[%dma_wait3A_429, %dma_wait3A_430] : memref<1000000x64xf32, #tpu.memory_space<hbm>> -> memref<1000000x64xf32, #tpu.memory_space<hbm>>
      tpu.wait_indirect_dma semaphore(%arg23 : memref<!tpu.dma_semaphore, #tpu.memory_space<semaphore_mem>>) src(%dma_wait3A_431 : memref<1000000x64xf32, #tpu.memory_space<hbm>>) dst(%arg13 : memref<128x64xf32, #tpu.memory_space<vmem>>)
      %add3A_432 = arith.addi %mul3A_2, %sub3A_425 : i32
      %dma_start3A_433 = arith.constant 0 : i32
      %dma_start3A_434 = arith.constant 0 : i32
      %dma_start3A_435 = tpu.memref_slice %arg4[%add3A_432, %dma_start3A_433, %dma_start3A_434] : memref<6400x128x64xf32, #tpu.memory_space<hbm>> -> memref<1x128x64xf32, #tpu.memory_space<hbm>>
      %dma_start3A_436 = tpu.memref_squeeze %dma_start3A_435 : memref<1x128x64xf32, #tpu.memory_space<hbm>> -> memref<128x64xf32, #tpu.memory_space<hbm>>
      %dma_start3A_437 = arith.constant 0 : i32
      %dma_start3A_438 = arith.constant 0 : i32
      %dma_start3A_439 = tpu.memref_slice %arg4[%add3A_432, %dma_start3A_437, %dma_start3A_438] : memref<6400x128x64xf32, #tpu.memory_space<hbm>> -> memref<1x128x64xf32, #tpu.memory_space<hbm>>
      %dma_start3A_440 = tpu.memref_squeeze %dma_start3A_439 : memref<1x128x64xf32, #tpu.memory_space<hbm>> -> memref<128x64xf32, #tpu.memory_space<hbm>>
      tpu.enqueue_dma source(%arg13 : memref<128x64xf32, #tpu.memory_space<vmem>>) target(%dma_start3A_440 : memref<128x64xf32, #tpu.memory_space<hbm>>) target_semaphore(%arg33 : memref<!tpu.dma_semaphore, #tpu.memory_space<semaphore_mem>>)
      %sub3A_441 = arith.constant 10 : i32
      %sub3A_442 = arith.subi %add3A_423, %sub3A_441 : i32
      %add3A_443 = arith.addi %mul3A_2, %sub3A_442 : i32
      %dma_wait3A_444 = arith.constant 0 : i32
      %dma_wait3A_445 = arith.constant 0 : i32
      %dma_wait3A_446 = tpu.memref_slice %arg4[%add3A_443, %dma_wait3A_444, %dma_wait3A_445] : memref<6400x128x64xf32, #tpu.memory_space<hbm>> -> memref<1x128x64xf32, #tpu.memory_space<hbm>>
      %dma_wait3A_447 = tpu.memref_squeeze %dma_wait3A_446 : memref<1x128x64xf32, #tpu.memory_space<hbm>> -> memref<128x64xf32, #tpu.memory_space<hbm>>
      %dma_wait3A_448 = arith.constant 0 : i32
      %dma_wait3A_449 = arith.constant 0 : i32
      %dma_wait3A_450 = tpu.memref_slice %arg4[%add3A_443, %dma_wait3A_448, %dma_wait3A_449] : memref<6400x128x64xf32, #tpu.memory_space<hbm>> -> memref<1x128x64xf32, #tpu.memory_space<hbm>>
      %dma_wait3A_451 = tpu.memref_squeeze %dma_wait3A_450 : memref<1x128x64xf32, #tpu.memory_space<hbm>> -> memref<128x64xf32, #tpu.memory_space<hbm>>
      tpu.wait_dma2 semaphore(%arg28 : memref<!tpu.dma_semaphore, #tpu.memory_space<semaphore_mem>>) src(%arg8 : memref<128x64xf32, #tpu.memory_space<vmem>>) dst(%dma_wait3A_451 : memref<128x64xf32, #tpu.memory_space<hbm>>)
      %dma_start3A_452 = arith.constant 0 : i32
      %dma_start3A_453 = tpu.memref_slice %arg5[%add3A_423, %dma_start3A_452] : memref<200x128xi32, #tpu.memory_space<vmem>> -> memref<1x128xi32, #tpu.memory_space<vmem>>
      %dma_start3A_454 = tpu.memref_squeeze %dma_start3A_453 : memref<1x128xi32, #tpu.memory_space<vmem>> -> memref<128xi32, #tpu.memory_space<vmem>>
      %dma_start3A_455 = arith.constant 0 : i32
      %dma_start3A_456 = arith.constant 0 : i32
      %dma_start3A_457 = tpu.memref_slice %arg3[%dma_start3A_455, %dma_start3A_456] : memref<1000000x64xf32, #tpu.memory_space<hbm>> -> memref<1000000x64xf32, #tpu.memory_space<hbm>>
      tpu.enqueue_indirect_dma source(%dma_start3A_457 : memref<1000000x64xf32, #tpu.memory_space<hbm>>) target(%arg8 : memref<128x64xf32, #tpu.memory_space<vmem>>) offsets(%dma_start3A_454 : memref<128xi32, #tpu.memory_space<vmem>>) semaphore(%arg18 : memref<!tpu.dma_semaphore, #tpu.memory_space<semaphore_mem>>)
      %add3A_458 = arith.constant 3 : i32
      %add3A_459 = arith.addi %add3A_350, %add3A_458 : i32
      %sub3A_460 = arith.constant 5 : i32
      %sub3A_461 = arith.subi %add3A_459, %sub3A_460 : i32
      %dma_wait3A_462 = arith.constant 0 : i32
      %dma_wait3A_463 = tpu.memref_slice %arg5[%sub3A_461, %dma_wait3A_462] : memref<200x128xi32, #tpu.memory_space<vmem>> -> memref<1x128xi32, #tpu.memory_space<vmem>>
      %dma_wait3A_464 = tpu.memref_squeeze %dma_wait3A_463 : memref<1x128xi32, #tpu.memory_space<vmem>> -> memref<128xi32, #tpu.memory_space<vmem>>
      %dma_wait3A_465 = arith.constant 0 : i32
      %dma_wait3A_466 = arith.constant 0 : i32
      %dma_wait3A_467 = tpu.memref_slice %arg3[%dma_wait3A_465, %dma_wait3A_466] : memref<1000000x64xf32, #tpu.memory_space<hbm>> -> memref<1000000x64xf32, #tpu.memory_space<hbm>>
      tpu.wait_indirect_dma semaphore(%arg24 : memref<!tpu.dma_semaphore, #tpu.memory_space<semaphore_mem>>) src(%dma_wait3A_467 : memref<1000000x64xf32, #tpu.memory_space<hbm>>) dst(%arg14 : memref<128x64xf32, #tpu.memory_space<vmem>>)
      %add3A_468 = arith.addi %mul3A_2, %sub3A_461 : i32
      %dma_start3A_469 = arith.constant 0 : i32
      %dma_start3A_470 = arith.constant 0 : i32
      %dma_start3A_471 = tpu.memref_slice %arg4[%add3A_468, %dma_start3A_469, %dma_start3A_470] : memref<6400x128x64xf32, #tpu.memory_space<hbm>> -> memref<1x128x64xf32, #tpu.memory_space<hbm>>
      %dma_start3A_472 = tpu.memref_squeeze %dma_start3A_471 : memref<1x128x64xf32, #tpu.memory_space<hbm>> -> memref<128x64xf32, #tpu.memory_space<hbm>>
      %dma_start3A_473 = arith.constant 0 : i32
      %dma_start3A_474 = arith.constant 0 : i32
      %dma_start3A_475 = tpu.memref_slice %arg4[%add3A_468, %dma_start3A_473, %dma_start3A_474] : memref<6400x128x64xf32, #tpu.memory_space<hbm>> -> memref<1x128x64xf32, #tpu.memory_space<hbm>>
      %dma_start3A_476 = tpu.memref_squeeze %dma_start3A_475 : memref<1x128x64xf32, #tpu.memory_space<hbm>> -> memref<128x64xf32, #tpu.memory_space<hbm>>
      tpu.enqueue_dma source(%arg14 : memref<128x64xf32, #tpu.memory_space<vmem>>) target(%dma_start3A_476 : memref<128x64xf32, #tpu.memory_space<hbm>>) target_semaphore(%arg34 : memref<!tpu.dma_semaphore, #tpu.memory_space<semaphore_mem>>)
      %sub3A_477 = arith.constant 10 : i32
      %sub3A_478 = arith.subi %add3A_459, %sub3A_477 : i32
      %add3A_479 = arith.addi %mul3A_2, %sub3A_478 : i32
      %dma_wait3A_480 = arith.constant 0 : i32
      %dma_wait3A_481 = arith.constant 0 : i32
      %dma_wait3A_482 = tpu.memref_slice %arg4[%add3A_479, %dma_wait3A_480, %dma_wait3A_481] : memref<6400x128x64xf32, #tpu.memory_space<hbm>> -> memref<1x128x64xf32, #tpu.memory_space<hbm>>
      %dma_wait3A_483 = tpu.memref_squeeze %dma_wait3A_482 : memref<1x128x64xf32, #tpu.memory_space<hbm>> -> memref<128x64xf32, #tpu.memory_space<hbm>>
      %dma_wait3A_484 = arith.constant 0 : i32
      %dma_wait3A_485 = arith.constant 0 : i32
      %dma_wait3A_486 = tpu.memref_slice %arg4[%add3A_479, %dma_wait3A_484, %dma_wait3A_485] : memref<6400x128x64xf32, #tpu.memory_space<hbm>> -> memref<1x128x64xf32, #tpu.memory_space<hbm>>
      %dma_wait3A_487 = tpu.memref_squeeze %dma_wait3A_486 : memref<1x128x64xf32, #tpu.memory_space<hbm>> -> memref<128x64xf32, #tpu.memory_space<hbm>>
      tpu.wait_dma2 semaphore(%arg29 : memref<!tpu.dma_semaphore, #tpu.memory_space<semaphore_mem>>) src(%arg9 : memref<128x64xf32, #tpu.memory_space<vmem>>) dst(%dma_wait3A_487 : memref<128x64xf32, #tpu.memory_space<hbm>>)
      %dma_start3A_488 = arith.constant 0 : i32
      %dma_start3A_489 = tpu.memref_slice %arg5[%add3A_459, %dma_start3A_488] : memref<200x128xi32, #tpu.memory_space<vmem>> -> memref<1x128xi32, #tpu.memory_space<vmem>>
      %dma_start3A_490 = tpu.memref_squeeze %dma_start3A_489 : memref<1x128xi32, #tpu.memory_space<vmem>> -> memref<128xi32, #tpu.memory_space<vmem>>
      %dma_start3A_491 = arith.constant 0 : i32
      %dma_start3A_492 = arith.constant 0 : i32
      %dma_start3A_493 = tpu.memref_slice %arg3[%dma_start3A_491, %dma_start3A_492] : memref<1000000x64xf32, #tpu.memory_space<hbm>> -> memref<1000000x64xf32, #tpu.memory_space<hbm>>
      tpu.enqueue_indirect_dma source(%dma_start3A_493 : memref<1000000x64xf32, #tpu.memory_space<hbm>>) target(%arg9 : memref<128x64xf32, #tpu.memory_space<vmem>>) offsets(%dma_start3A_490 : memref<128xi32, #tpu.memory_space<vmem>>) semaphore(%arg19 : memref<!tpu.dma_semaphore, #tpu.memory_space<semaphore_mem>>)
      %add3A_494 = arith.constant 4 : i32
      %add3A_495 = arith.addi %add3A_350, %add3A_494 : i32
      %sub3A_496 = arith.constant 5 : i32
      %sub3A_497 = arith.subi %add3A_495, %sub3A_496 : i32
      %dma_wait3A_498 = arith.constant 0 : i32
      %dma_wait3A_499 = tpu.memref_slice %arg5[%sub3A_497, %dma_wait3A_498] : memref<200x128xi32, #tpu.memory_space<vmem>> -> memref<1x128xi32, #tpu.memory_space<vmem>>
      %dma_wait3A_500 = tpu.memref_squeeze %dma_wait3A_499 : memref<1x128xi32, #tpu.memory_space<vmem>> -> memref<128xi32, #tpu.memory_space<vmem>>
      %dma_wait3A_501 = arith.constant 0 : i32
      %dma_wait3A_502 = arith.constant 0 : i32
      %dma_wait3A_503 = tpu.memref_slice %arg3[%dma_wait3A_501, %dma_wait3A_502] : memref<1000000x64xf32, #tpu.memory_space<hbm>> -> memref<1000000x64xf32, #tpu.memory_space<hbm>>
      tpu.wait_indirect_dma semaphore(%arg25 : memref<!tpu.dma_semaphore, #tpu.memory_space<semaphore_mem>>) src(%dma_wait3A_503 : memref<1000000x64xf32, #tpu.memory_space<hbm>>) dst(%arg15 : memref<128x64xf32, #tpu.memory_space<vmem>>)
      %add3A_504 = arith.addi %mul3A_2, %sub3A_497 : i32
      %dma_start3A_505 = arith.constant 0 : i32
      %dma_start3A_506 = arith.constant 0 : i32
      %dma_start3A_507 = tpu.memref_slice %arg4[%add3A_504, %dma_start3A_505, %dma_start3A_506] : memref<6400x128x64xf32, #tpu.memory_space<hbm>> -> memref<1x128x64xf32, #tpu.memory_space<hbm>>
      %dma_start3A_508 = tpu.memref_squeeze %dma_start3A_507 : memref<1x128x64xf32, #tpu.memory_space<hbm>> -> memref<128x64xf32, #tpu.memory_space<hbm>>
      %dma_start3A_509 = arith.constant 0 : i32
      %dma_start3A_510 = arith.constant 0 : i32
      %dma_start3A_511 = tpu.memref_slice %arg4[%add3A_504, %dma_start3A_509, %dma_start3A_510] : memref<6400x128x64xf32, #tpu.memory_space<hbm>> -> memref<1x128x64xf32, #tpu.memory_space<hbm>>
      %dma_start3A_512 = tpu.memref_squeeze %dma_start3A_511 : memref<1x128x64xf32, #tpu.memory_space<hbm>> -> memref<128x64xf32, #tpu.memory_space<hbm>>
      tpu.enqueue_dma source(%arg15 : memref<128x64xf32, #tpu.memory_space<vmem>>) target(%dma_start3A_512 : memref<128x64xf32, #tpu.memory_space<hbm>>) target_semaphore(%arg35 : memref<!tpu.dma_semaphore, #tpu.memory_space<semaphore_mem>>)
      %sub3A_513 = arith.constant 10 : i32
      %sub3A_514 = arith.subi %add3A_495, %sub3A_513 : i32
      %add3A_515 = arith.addi %mul3A_2, %sub3A_514 : i32
      %dma_wait3A_516 = arith.constant 0 : i32
      %dma_wait3A_517 = arith.constant 0 : i32
      %dma_wait3A_518 = tpu.memref_slice %arg4[%add3A_515, %dma_wait3A_516, %dma_wait3A_517] : memref<6400x128x64xf32, #tpu.memory_space<hbm>> -> memref<1x128x64xf32, #tpu.memory_space<hbm>>
      %dma_wait3A_519 = tpu.memref_squeeze %dma_wait3A_518 : memref<1x128x64xf32, #tpu.memory_space<hbm>> -> memref<128x64xf32, #tpu.memory_space<hbm>>
      %dma_wait3A_520 = arith.constant 0 : i32
      %dma_wait3A_521 = arith.constant 0 : i32
      %dma_wait3A_522 = tpu.memref_slice %arg4[%add3A_515, %dma_wait3A_520, %dma_wait3A_521] : memref<6400x128x64xf32, #tpu.memory_space<hbm>> -> memref<1x128x64xf32, #tpu.memory_space<hbm>>
      %dma_wait3A_523 = tpu.memref_squeeze %dma_wait3A_522 : memref<1x128x64xf32, #tpu.memory_space<hbm>> -> memref<128x64xf32, #tpu.memory_space<hbm>>
      tpu.wait_dma2 semaphore(%arg30 : memref<!tpu.dma_semaphore, #tpu.memory_space<semaphore_mem>>) src(%arg10 : memref<128x64xf32, #tpu.memory_space<vmem>>) dst(%dma_wait3A_523 : memref<128x64xf32, #tpu.memory_space<hbm>>)
      %dma_start3A_524 = arith.constant 0 : i32
      %dma_start3A_525 = tpu.memref_slice %arg5[%add3A_495, %dma_start3A_524] : memref<200x128xi32, #tpu.memory_space<vmem>> -> memref<1x128xi32, #tpu.memory_space<vmem>>
      %dma_start3A_526 = tpu.memref_squeeze %dma_start3A_525 : memref<1x128xi32, #tpu.memory_space<vmem>> -> memref<128xi32, #tpu.memory_space<vmem>>
      %dma_start3A_527 = arith.constant 0 : i32
      %dma_start3A_528 = arith.constant 0 : i32
      %dma_start3A_529 = tpu.memref_slice %arg3[%dma_start3A_527, %dma_start3A_528] : memref<1000000x64xf32, #tpu.memory_space<hbm>> -> memref<1000000x64xf32, #tpu.memory_space<hbm>>
      tpu.enqueue_indirect_dma source(%dma_start3A_529 : memref<1000000x64xf32, #tpu.memory_space<hbm>>) target(%arg10 : memref<128x64xf32, #tpu.memory_space<vmem>>) offsets(%dma_start3A_526 : memref<128xi32, #tpu.memory_space<vmem>>) semaphore(%arg20 : memref<!tpu.dma_semaphore, #tpu.memory_space<semaphore_mem>>)
      %add3A_530 = arith.constant 5 : i32
      %add3A_531 = arith.addi %add3A_350, %add3A_530 : i32
      %sub3A_532 = arith.constant 5 : i32
      %sub3A_533 = arith.subi %add3A_531, %sub3A_532 : i32
      %dma_wait3A_534 = arith.constant 0 : i32
      %dma_wait3A_535 = tpu.memref_slice %arg5[%sub3A_533, %dma_wait3A_534] : memref<200x128xi32, #tpu.memory_space<vmem>> -> memref<1x128xi32, #tpu.memory_space<vmem>>
      %dma_wait3A_536 = tpu.memref_squeeze %dma_wait3A_535 : memref<1x128xi32, #tpu.memory_space<vmem>> -> memref<128xi32, #tpu.memory_space<vmem>>
      %dma_wait3A_537 = arith.constant 0 : i32
      %dma_wait3A_538 = arith.constant 0 : i32
      %dma_wait3A_539 = tpu.memref_slice %arg3[%dma_wait3A_537, %dma_wait3A_538] : memref<1000000x64xf32, #tpu.memory_space<hbm>> -> memref<1000000x64xf32, #tpu.memory_space<hbm>>
      tpu.wait_indirect_dma semaphore(%arg16 : memref<!tpu.dma_semaphore, #tpu.memory_space<semaphore_mem>>) src(%dma_wait3A_539 : memref<1000000x64xf32, #tpu.memory_space<hbm>>) dst(%arg6 : memref<128x64xf32, #tpu.memory_space<vmem>>)
      %add3A_540 = arith.addi %mul3A_2, %sub3A_533 : i32
      %dma_start3A_541 = arith.constant 0 : i32
      %dma_start3A_542 = arith.constant 0 : i32
      %dma_start3A_543 = tpu.memref_slice %arg4[%add3A_540, %dma_start3A_541, %dma_start3A_542] : memref<6400x128x64xf32, #tpu.memory_space<hbm>> -> memref<1x128x64xf32, #tpu.memory_space<hbm>>
      %dma_start3A_544 = tpu.memref_squeeze %dma_start3A_543 : memref<1x128x64xf32, #tpu.memory_space<hbm>> -> memref<128x64xf32, #tpu.memory_space<hbm>>
      %dma_start3A_545 = arith.constant 0 : i32
      %dma_start3A_546 = arith.constant 0 : i32
      %dma_start3A_547 = tpu.memref_slice %arg4[%add3A_540, %dma_start3A_545, %dma_start3A_546] : memref<6400x128x64xf32, #tpu.memory_space<hbm>> -> memref<1x128x64xf32, #tpu.memory_space<hbm>>
      %dma_start3A_548 = tpu.memref_squeeze %dma_start3A_547 : memref<1x128x64xf32, #tpu.memory_space<hbm>> -> memref<128x64xf32, #tpu.memory_space<hbm>>
      tpu.enqueue_dma source(%arg6 : memref<128x64xf32, #tpu.memory_space<vmem>>) target(%dma_start3A_548 : memref<128x64xf32, #tpu.memory_space<hbm>>) target_semaphore(%arg26 : memref<!tpu.dma_semaphore, #tpu.memory_space<semaphore_mem>>)
      %sub3A_549 = arith.constant 10 : i32
      %sub3A_550 = arith.subi %add3A_531, %sub3A_549 : i32
      %add3A_551 = arith.addi %mul3A_2, %sub3A_550 : i32
      %dma_wait3A_552 = arith.constant 0 : i32
      %dma_wait3A_553 = arith.constant 0 : i32
      %dma_wait3A_554 = tpu.memref_slice %arg4[%add3A_551, %dma_wait3A_552, %dma_wait3A_553] : memref<6400x128x64xf32, #tpu.memory_space<hbm>> -> memref<1x128x64xf32, #tpu.memory_space<hbm>>
      %dma_wait3A_555 = tpu.memref_squeeze %dma_wait3A_554 : memref<1x128x64xf32, #tpu.memory_space<hbm>> -> memref<128x64xf32, #tpu.memory_space<hbm>>
      %dma_wait3A_556 = arith.constant 0 : i32
      %dma_wait3A_557 = arith.constant 0 : i32
      %dma_wait3A_558 = tpu.memref_slice %arg4[%add3A_551, %dma_wait3A_556, %dma_wait3A_557] : memref<6400x128x64xf32, #tpu.memory_space<hbm>> -> memref<1x128x64xf32, #tpu.memory_space<hbm>>
      %dma_wait3A_559 = tpu.memref_squeeze %dma_wait3A_558 : memref<1x128x64xf32, #tpu.memory_space<hbm>> -> memref<128x64xf32, #tpu.memory_space<hbm>>
      tpu.wait_dma2 semaphore(%arg31 : memref<!tpu.dma_semaphore, #tpu.memory_space<semaphore_mem>>) src(%arg11 : memref<128x64xf32, #tpu.memory_space<vmem>>) dst(%dma_wait3A_559 : memref<128x64xf32, #tpu.memory_space<hbm>>)
      %dma_start3A_560 = arith.constant 0 : i32
      %dma_start3A_561 = tpu.memref_slice %arg5[%add3A_531, %dma_start3A_560] : memref<200x128xi32, #tpu.memory_space<vmem>> -> memref<1x128xi32, #tpu.memory_space<vmem>>
      %dma_start3A_562 = tpu.memref_squeeze %dma_start3A_561 : memref<1x128xi32, #tpu.memory_space<vmem>> -> memref<128xi32, #tpu.memory_space<vmem>>
      %dma_start3A_563 = arith.constant 0 : i32
      %dma_start3A_564 = arith.constant 0 : i32
      %dma_start3A_565 = tpu.memref_slice %arg3[%dma_start3A_563, %dma_start3A_564] : memref<1000000x64xf32, #tpu.memory_space<hbm>> -> memref<1000000x64xf32, #tpu.memory_space<hbm>>
      tpu.enqueue_indirect_dma source(%dma_start3A_565 : memref<1000000x64xf32, #tpu.memory_space<hbm>>) target(%arg11 : memref<128x64xf32, #tpu.memory_space<vmem>>) offsets(%dma_start3A_562 : memref<128xi32, #tpu.memory_space<vmem>>) semaphore(%arg21 : memref<!tpu.dma_semaphore, #tpu.memory_space<semaphore_mem>>)
      %add3A_566 = arith.constant 6 : i32
      %add3A_567 = arith.addi %add3A_350, %add3A_566 : i32
      %sub3A_568 = arith.constant 5 : i32
      %sub3A_569 = arith.subi %add3A_567, %sub3A_568 : i32
      %dma_wait3A_570 = arith.constant 0 : i32
      %dma_wait3A_571 = tpu.memref_slice %arg5[%sub3A_569, %dma_wait3A_570] : memref<200x128xi32, #tpu.memory_space<vmem>> -> memref<1x128xi32, #tpu.memory_space<vmem>>
      %dma_wait3A_572 = tpu.memref_squeeze %dma_wait3A_571 : memref<1x128xi32, #tpu.memory_space<vmem>> -> memref<128xi32, #tpu.memory_space<vmem>>
      %dma_wait3A_573 = arith.constant 0 : i32
      %dma_wait3A_574 = arith.constant 0 : i32
      %dma_wait3A_575 = tpu.memref_slice %arg3[%dma_wait3A_573, %dma_wait3A_574] : memref<1000000x64xf32, #tpu.memory_space<hbm>> -> memref<1000000x64xf32, #tpu.memory_space<hbm>>
      tpu.wait_indirect_dma semaphore(%arg17 : memref<!tpu.dma_semaphore, #tpu.memory_space<semaphore_mem>>) src(%dma_wait3A_575 : memref<1000000x64xf32, #tpu.memory_space<hbm>>) dst(%arg7 : memref<128x64xf32, #tpu.memory_space<vmem>>)
      %add3A_576 = arith.addi %mul3A_2, %sub3A_569 : i32
      %dma_start3A_577 = arith.constant 0 : i32
      %dma_start3A_578 = arith.constant 0 : i32
      %dma_start3A_579 = tpu.memref_slice %arg4[%add3A_576, %dma_start3A_577, %dma_start3A_578] : memref<6400x128x64xf32, #tpu.memory_space<hbm>> -> memref<1x128x64xf32, #tpu.memory_space<hbm>>
      %dma_start3A_580 = tpu.memref_squeeze %dma_start3A_579 : memref<1x128x64xf32, #tpu.memory_space<hbm>> -> memref<128x64xf32, #tpu.memory_space<hbm>>
      %dma_start3A_581 = arith.constant 0 : i32
      %dma_start3A_582 = arith.constant 0 : i32
      %dma_start3A_583 = tpu.memref_slice %arg4[%add3A_576, %dma_start3A_581, %dma_start3A_582] : memref<6400x128x64xf32, #tpu.memory_space<hbm>> -> memref<1x128x64xf32, #tpu.memory_space<hbm>>
      %dma_start3A_584 = tpu.memref_squeeze %dma_start3A_583 : memref<1x128x64xf32, #tpu.memory_space<hbm>> -> memref<128x64xf32, #tpu.memory_space<hbm>>
      tpu.enqueue_dma source(%arg7 : memref<128x64xf32, #tpu.memory_space<vmem>>) target(%dma_start3A_584 : memref<128x64xf32, #tpu.memory_space<hbm>>) target_semaphore(%arg27 : memref<!tpu.dma_semaphore, #tpu.memory_space<semaphore_mem>>)
      %sub3A_585 = arith.constant 10 : i32
      %sub3A_586 = arith.subi %add3A_567, %sub3A_585 : i32
      %add3A_587 = arith.addi %mul3A_2, %sub3A_586 : i32
      %dma_wait3A_588 = arith.constant 0 : i32
      %dma_wait3A_589 = arith.constant 0 : i32
      %dma_wait3A_590 = tpu.memref_slice %arg4[%add3A_587, %dma_wait3A_588, %dma_wait3A_589] : memref<6400x128x64xf32, #tpu.memory_space<hbm>> -> memref<1x128x64xf32, #tpu.memory_space<hbm>>
      %dma_wait3A_591 = tpu.memref_squeeze %dma_wait3A_590 : memref<1x128x64xf32, #tpu.memory_space<hbm>> -> memref<128x64xf32, #tpu.memory_space<hbm>>
      %dma_wait3A_592 = arith.constant 0 : i32
      %dma_wait3A_593 = arith.constant 0 : i32
      %dma_wait3A_594 = tpu.memref_slice %arg4[%add3A_587, %dma_wait3A_592, %dma_wait3A_593] : memref<6400x128x64xf32, #tpu.memory_space<hbm>> -> memref<1x128x64xf32, #tpu.memory_space<hbm>>
      %dma_wait3A_595 = tpu.memref_squeeze %dma_wait3A_594 : memref<1x128x64xf32, #tpu.memory_space<hbm>> -> memref<128x64xf32, #tpu.memory_space<hbm>>
      tpu.wait_dma2 semaphore(%arg32 : memref<!tpu.dma_semaphore, #tpu.memory_space<semaphore_mem>>) src(%arg12 : memref<128x64xf32, #tpu.memory_space<vmem>>) dst(%dma_wait3A_595 : memref<128x64xf32, #tpu.memory_space<hbm>>)
      %dma_start3A_596 = arith.constant 0 : i32
      %dma_start3A_597 = tpu.memref_slice %arg5[%add3A_567, %dma_start3A_596] : memref<200x128xi32, #tpu.memory_space<vmem>> -> memref<1x128xi32, #tpu.memory_space<vmem>>
      %dma_start3A_598 = tpu.memref_squeeze %dma_start3A_597 : memref<1x128xi32, #tpu.memory_space<vmem>> -> memref<128xi32, #tpu.memory_space<vmem>>
      %dma_start3A_599 = arith.constant 0 : i32
      %dma_start3A_600 = arith.constant 0 : i32
      %dma_start3A_601 = tpu.memref_slice %arg3[%dma_start3A_599, %dma_start3A_600] : memref<1000000x64xf32, #tpu.memory_space<hbm>> -> memref<1000000x64xf32, #tpu.memory_space<hbm>>
      tpu.enqueue_indirect_dma source(%dma_start3A_601 : memref<1000000x64xf32, #tpu.memory_space<hbm>>) target(%arg12 : memref<128x64xf32, #tpu.memory_space<vmem>>) offsets(%dma_start3A_598 : memref<128xi32, #tpu.memory_space<vmem>>) semaphore(%arg22 : memref<!tpu.dma_semaphore, #tpu.memory_space<semaphore_mem>>)
      %add3A_602 = arith.constant 7 : i32
      %add3A_603 = arith.addi %add3A_350, %add3A_602 : i32
      %sub3A_604 = arith.constant 5 : i32
      %sub3A_605 = arith.subi %add3A_603, %sub3A_604 : i32
      %dma_wait3A_606 = arith.constant 0 : i32
      %dma_wait3A_607 = tpu.memref_slice %arg5[%sub3A_605, %dma_wait3A_606] : memref<200x128xi32, #tpu.memory_space<vmem>> -> memref<1x128xi32, #tpu.memory_space<vmem>>
      %dma_wait3A_608 = tpu.memref_squeeze %dma_wait3A_607 : memref<1x128xi32, #tpu.memory_space<vmem>> -> memref<128xi32, #tpu.memory_space<vmem>>
      %dma_wait3A_609 = arith.constant 0 : i32
      %dma_wait3A_610 = arith.constant 0 : i32
      %dma_wait3A_611 = tpu.memref_slice %arg3[%dma_wait3A_609, %dma_wait3A_610] : memref<1000000x64xf32, #tpu.memory_space<hbm>> -> memref<1000000x64xf32, #tpu.memory_space<hbm>>
      tpu.wait_indirect_dma semaphore(%arg18 : memref<!tpu.dma_semaphore, #tpu.memory_space<semaphore_mem>>) src(%dma_wait3A_611 : memref<1000000x64xf32, #tpu.memory_space<hbm>>) dst(%arg8 : memref<128x64xf32, #tpu.memory_space<vmem>>)
      %add3A_612 = arith.addi %mul3A_2, %sub3A_605 : i32
      %dma_start3A_613 = arith.constant 0 : i32
      %dma_start3A_614 = arith.constant 0 : i32
      %dma_start3A_615 = tpu.memref_slice %arg4[%add3A_612, %dma_start3A_613, %dma_start3A_614] : memref<6400x128x64xf32, #tpu.memory_space<hbm>> -> memref<1x128x64xf32, #tpu.memory_space<hbm>>
      %dma_start3A_616 = tpu.memref_squeeze %dma_start3A_615 : memref<1x128x64xf32, #tpu.memory_space<hbm>> -> memref<128x64xf32, #tpu.memory_space<hbm>>
      %dma_start3A_617 = arith.constant 0 : i32
      %dma_start3A_618 = arith.constant 0 : i32
      %dma_start3A_619 = tpu.memref_slice %arg4[%add3A_612, %dma_start3A_617, %dma_start3A_618] : memref<6400x128x64xf32, #tpu.memory_space<hbm>> -> memref<1x128x64xf32, #tpu.memory_space<hbm>>
      %dma_start3A_620 = tpu.memref_squeeze %dma_start3A_619 : memref<1x128x64xf32, #tpu.memory_space<hbm>> -> memref<128x64xf32, #tpu.memory_space<hbm>>
      tpu.enqueue_dma source(%arg8 : memref<128x64xf32, #tpu.memory_space<vmem>>) target(%dma_start3A_620 : memref<128x64xf32, #tpu.memory_space<hbm>>) target_semaphore(%arg28 : memref<!tpu.dma_semaphore, #tpu.memory_space<semaphore_mem>>)
      %sub3A_621 = arith.constant 10 : i32
      %sub3A_622 = arith.subi %add3A_603, %sub3A_621 : i32
      %add3A_623 = arith.addi %mul3A_2, %sub3A_622 : i32
      %dma_wait3A_624 = arith.constant 0 : i32
      %dma_wait3A_625 = arith.constant 0 : i32
      %dma_wait3A_626 = tpu.memref_slice %arg4[%add3A_623, %dma_wait3A_624, %dma_wait3A_625] : memref<6400x128x64xf32, #tpu.memory_space<hbm>> -> memref<1x128x64xf32, #tpu.memory_space<hbm>>
      %dma_wait3A_627 = tpu.memref_squeeze %dma_wait3A_626 : memref<1x128x64xf32, #tpu.memory_space<hbm>> -> memref<128x64xf32, #tpu.memory_space<hbm>>
      %dma_wait3A_628 = arith.constant 0 : i32
      %dma_wait3A_629 = arith.constant 0 : i32
      %dma_wait3A_630 = tpu.memref_slice %arg4[%add3A_623, %dma_wait3A_628, %dma_wait3A_629] : memref<6400x128x64xf32, #tpu.memory_space<hbm>> -> memref<1x128x64xf32, #tpu.memory_space<hbm>>
      %dma_wait3A_631 = tpu.memref_squeeze %dma_wait3A_630 : memref<1x128x64xf32, #tpu.memory_space<hbm>> -> memref<128x64xf32, #tpu.memory_space<hbm>>
      tpu.wait_dma2 semaphore(%arg33 : memref<!tpu.dma_semaphore, #tpu.memory_space<semaphore_mem>>) src(%arg13 : memref<128x64xf32, #tpu.memory_space<vmem>>) dst(%dma_wait3A_631 : memref<128x64xf32, #tpu.memory_space<hbm>>)
      %dma_start3A_632 = arith.constant 0 : i32
      %dma_start3A_633 = tpu.memref_slice %arg5[%add3A_603, %dma_start3A_632] : memref<200x128xi32, #tpu.memory_space<vmem>> -> memref<1x128xi32, #tpu.memory_space<vmem>>
      %dma_start3A_634 = tpu.memref_squeeze %dma_start3A_633 : memref<1x128xi32, #tpu.memory_space<vmem>> -> memref<128xi32, #tpu.memory_space<vmem>>
      %dma_start3A_635 = arith.constant 0 : i32
      %dma_start3A_636 = arith.constant 0 : i32
      %dma_start3A_637 = tpu.memref_slice %arg3[%dma_start3A_635, %dma_start3A_636] : memref<1000000x64xf32, #tpu.memory_space<hbm>> -> memref<1000000x64xf32, #tpu.memory_space<hbm>>
      tpu.enqueue_indirect_dma source(%dma_start3A_637 : memref<1000000x64xf32, #tpu.memory_space<hbm>>) target(%arg13 : memref<128x64xf32, #tpu.memory_space<vmem>>) offsets(%dma_start3A_634 : memref<128xi32, #tpu.memory_space<vmem>>) semaphore(%arg23 : memref<!tpu.dma_semaphore, #tpu.memory_space<semaphore_mem>>)
      %add3A_638 = arith.constant 8 : i32
      %add3A_639 = arith.addi %add3A_350, %add3A_638 : i32
      %sub3A_640 = arith.constant 5 : i32
      %sub3A_641 = arith.subi %add3A_639, %sub3A_640 : i32
      %dma_wait3A_642 = arith.constant 0 : i32
      %dma_wait3A_643 = tpu.memref_slice %arg5[%sub3A_641, %dma_wait3A_642] : memref<200x128xi32, #tpu.memory_space<vmem>> -> memref<1x128xi32, #tpu.memory_space<vmem>>
      %dma_wait3A_644 = tpu.memref_squeeze %dma_wait3A_643 : memref<1x128xi32, #tpu.memory_space<vmem>> -> memref<128xi32, #tpu.memory_space<vmem>>
      %dma_wait3A_645 = arith.constant 0 : i32
      %dma_wait3A_646 = arith.constant 0 : i32
      %dma_wait3A_647 = tpu.memref_slice %arg3[%dma_wait3A_645, %dma_wait3A_646] : memref<1000000x64xf32, #tpu.memory_space<hbm>> -> memref<1000000x64xf32, #tpu.memory_space<hbm>>
      tpu.wait_indirect_dma semaphore(%arg19 : memref<!tpu.dma_semaphore, #tpu.memory_space<semaphore_mem>>) src(%dma_wait3A_647 : memref<1000000x64xf32, #tpu.memory_space<hbm>>) dst(%arg9 : memref<128x64xf32, #tpu.memory_space<vmem>>)
      %add3A_648 = arith.addi %mul3A_2, %sub3A_641 : i32
      %dma_start3A_649 = arith.constant 0 : i32
      %dma_start3A_650 = arith.constant 0 : i32
      %dma_start3A_651 = tpu.memref_slice %arg4[%add3A_648, %dma_start3A_649, %dma_start3A_650] : memref<6400x128x64xf32, #tpu.memory_space<hbm>> -> memref<1x128x64xf32, #tpu.memory_space<hbm>>
      %dma_start3A_652 = tpu.memref_squeeze %dma_start3A_651 : memref<1x128x64xf32, #tpu.memory_space<hbm>> -> memref<128x64xf32, #tpu.memory_space<hbm>>
      %dma_start3A_653 = arith.constant 0 : i32
      %dma_start3A_654 = arith.constant 0 : i32
      %dma_start3A_655 = tpu.memref_slice %arg4[%add3A_648, %dma_start3A_653, %dma_start3A_654] : memref<6400x128x64xf32, #tpu.memory_space<hbm>> -> memref<1x128x64xf32, #tpu.memory_space<hbm>>
      %dma_start3A_656 = tpu.memref_squeeze %dma_start3A_655 : memref<1x128x64xf32, #tpu.memory_space<hbm>> -> memref<128x64xf32, #tpu.memory_space<hbm>>
      tpu.enqueue_dma source(%arg9 : memref<128x64xf32, #tpu.memory_space<vmem>>) target(%dma_start3A_656 : memref<128x64xf32, #tpu.memory_space<hbm>>) target_semaphore(%arg29 : memref<!tpu.dma_semaphore, #tpu.memory_space<semaphore_mem>>)
      %sub3A_657 = arith.constant 10 : i32
      %sub3A_658 = arith.subi %add3A_639, %sub3A_657 : i32
      %add3A_659 = arith.addi %mul3A_2, %sub3A_658 : i32
      %dma_wait3A_660 = arith.constant 0 : i32
      %dma_wait3A_661 = arith.constant 0 : i32
      %dma_wait3A_662 = tpu.memref_slice %arg4[%add3A_659, %dma_wait3A_660, %dma_wait3A_661] : memref<6400x128x64xf32, #tpu.memory_space<hbm>> -> memref<1x128x64xf32, #tpu.memory_space<hbm>>
      %dma_wait3A_663 = tpu.memref_squeeze %dma_wait3A_662 : memref<1x128x64xf32, #tpu.memory_space<hbm>> -> memref<128x64xf32, #tpu.memory_space<hbm>>
      %dma_wait3A_664 = arith.constant 0 : i32
      %dma_wait3A_665 = arith.constant 0 : i32
      %dma_wait3A_666 = tpu.memref_slice %arg4[%add3A_659, %dma_wait3A_664, %dma_wait3A_665] : memref<6400x128x64xf32, #tpu.memory_space<hbm>> -> memref<1x128x64xf32, #tpu.memory_space<hbm>>
      %dma_wait3A_667 = tpu.memref_squeeze %dma_wait3A_666 : memref<1x128x64xf32, #tpu.memory_space<hbm>> -> memref<128x64xf32, #tpu.memory_space<hbm>>
      tpu.wait_dma2 semaphore(%arg34 : memref<!tpu.dma_semaphore, #tpu.memory_space<semaphore_mem>>) src(%arg14 : memref<128x64xf32, #tpu.memory_space<vmem>>) dst(%dma_wait3A_667 : memref<128x64xf32, #tpu.memory_space<hbm>>)
      %dma_start3A_668 = arith.constant 0 : i32
      %dma_start3A_669 = tpu.memref_slice %arg5[%add3A_639, %dma_start3A_668] : memref<200x128xi32, #tpu.memory_space<vmem>> -> memref<1x128xi32, #tpu.memory_space<vmem>>
      %dma_start3A_670 = tpu.memref_squeeze %dma_start3A_669 : memref<1x128xi32, #tpu.memory_space<vmem>> -> memref<128xi32, #tpu.memory_space<vmem>>
      %dma_start3A_671 = arith.constant 0 : i32
      %dma_start3A_672 = arith.constant 0 : i32
      %dma_start3A_673 = tpu.memref_slice %arg3[%dma_start3A_671, %dma_start3A_672] : memref<1000000x64xf32, #tpu.memory_space<hbm>> -> memref<1000000x64xf32, #tpu.memory_space<hbm>>
      tpu.enqueue_indirect_dma source(%dma_start3A_673 : memref<1000000x64xf32, #tpu.memory_space<hbm>>) target(%arg14 : memref<128x64xf32, #tpu.memory_space<vmem>>) offsets(%dma_start3A_670 : memref<128xi32, #tpu.memory_space<vmem>>) semaphore(%arg24 : memref<!tpu.dma_semaphore, #tpu.memory_space<semaphore_mem>>)
      %add3A_674 = arith.constant 9 : i32
      %add3A_675 = arith.addi %add3A_350, %add3A_674 : i32
      %sub3A_676 = arith.constant 5 : i32
      %sub3A_677 = arith.subi %add3A_675, %sub3A_676 : i32
      %dma_wait3A_678 = arith.constant 0 : i32
      %dma_wait3A_679 = tpu.memref_slice %arg5[%sub3A_677, %dma_wait3A_678] : memref<200x128xi32, #tpu.memory_space<vmem>> -> memref<1x128xi32, #tpu.memory_space<vmem>>
      %dma_wait3A_680 = tpu.memref_squeeze %dma_wait3A_679 : memref<1x128xi32, #tpu.memory_space<vmem>> -> memref<128xi32, #tpu.memory_space<vmem>>
      %dma_wait3A_681 = arith.constant 0 : i32
      %dma_wait3A_682 = arith.constant 0 : i32
      %dma_wait3A_683 = tpu.memref_slice %arg3[%dma_wait3A_681, %dma_wait3A_682] : memref<1000000x64xf32, #tpu.memory_space<hbm>> -> memref<1000000x64xf32, #tpu.memory_space<hbm>>
      tpu.wait_indirect_dma semaphore(%arg20 : memref<!tpu.dma_semaphore, #tpu.memory_space<semaphore_mem>>) src(%dma_wait3A_683 : memref<1000000x64xf32, #tpu.memory_space<hbm>>) dst(%arg10 : memref<128x64xf32, #tpu.memory_space<vmem>>)
      %add3A_684 = arith.addi %mul3A_2, %sub3A_677 : i32
      %dma_start3A_685 = arith.constant 0 : i32
      %dma_start3A_686 = arith.constant 0 : i32
      %dma_start3A_687 = tpu.memref_slice %arg4[%add3A_684, %dma_start3A_685, %dma_start3A_686] : memref<6400x128x64xf32, #tpu.memory_space<hbm>> -> memref<1x128x64xf32, #tpu.memory_space<hbm>>
      %dma_start3A_688 = tpu.memref_squeeze %dma_start3A_687 : memref<1x128x64xf32, #tpu.memory_space<hbm>> -> memref<128x64xf32, #tpu.memory_space<hbm>>
      %dma_start3A_689 = arith.constant 0 : i32
      %dma_start3A_690 = arith.constant 0 : i32
      %dma_start3A_691 = tpu.memref_slice %arg4[%add3A_684, %dma_start3A_689, %dma_start3A_690] : memref<6400x128x64xf32, #tpu.memory_space<hbm>> -> memref<1x128x64xf32, #tpu.memory_space<hbm>>
      %dma_start3A_692 = tpu.memref_squeeze %dma_start3A_691 : memref<1x128x64xf32, #tpu.memory_space<hbm>> -> memref<128x64xf32, #tpu.memory_space<hbm>>
      tpu.enqueue_dma source(%arg10 : memref<128x64xf32, #tpu.memory_space<vmem>>) target(%dma_start3A_692 : memref<128x64xf32, #tpu.memory_space<hbm>>) target_semaphore(%arg30 : memref<!tpu.dma_semaphore, #tpu.memory_space<semaphore_mem>>)
      %sub3A_693 = arith.constant 10 : i32
      %sub3A_694 = arith.subi %add3A_675, %sub3A_693 : i32
      %add3A_695 = arith.addi %mul3A_2, %sub3A_694 : i32
      %dma_wait3A_696 = arith.constant 0 : i32
      %dma_wait3A_697 = arith.constant 0 : i32
      %dma_wait3A_698 = tpu.memref_slice %arg4[%add3A_695, %dma_wait3A_696, %dma_wait3A_697] : memref<6400x128x64xf32, #tpu.memory_space<hbm>> -> memref<1x128x64xf32, #tpu.memory_space<hbm>>
      %dma_wait3A_699 = tpu.memref_squeeze %dma_wait3A_698 : memref<1x128x64xf32, #tpu.memory_space<hbm>> -> memref<128x64xf32, #tpu.memory_space<hbm>>
      %dma_wait3A_700 = arith.constant 0 : i32
      %dma_wait3A_701 = arith.constant 0 : i32
      %dma_wait3A_702 = tpu.memref_slice %arg4[%add3A_695, %dma_wait3A_700, %dma_wait3A_701] : memref<6400x128x64xf32, #tpu.memory_space<hbm>> -> memref<1x128x64xf32, #tpu.memory_space<hbm>>
      %dma_wait3A_703 = tpu.memref_squeeze %dma_wait3A_702 : memref<1x128x64xf32, #tpu.memory_space<hbm>> -> memref<128x64xf32, #tpu.memory_space<hbm>>
      tpu.wait_dma2 semaphore(%arg35 : memref<!tpu.dma_semaphore, #tpu.memory_space<semaphore_mem>>) src(%arg15 : memref<128x64xf32, #tpu.memory_space<vmem>>) dst(%dma_wait3A_703 : memref<128x64xf32, #tpu.memory_space<hbm>>)
      %dma_start3A_704 = arith.constant 0 : i32
      %dma_start3A_705 = tpu.memref_slice %arg5[%add3A_675, %dma_start3A_704] : memref<200x128xi32, #tpu.memory_space<vmem>> -> memref<1x128xi32, #tpu.memory_space<vmem>>
      %dma_start3A_706 = tpu.memref_squeeze %dma_start3A_705 : memref<1x128xi32, #tpu.memory_space<vmem>> -> memref<128xi32, #tpu.memory_space<vmem>>
      %dma_start3A_707 = arith.constant 0 : i32
      %dma_start3A_708 = arith.constant 0 : i32
      %dma_start3A_709 = tpu.memref_slice %arg3[%dma_start3A_707, %dma_start3A_708] : memref<1000000x64xf32, #tpu.memory_space<hbm>> -> memref<1000000x64xf32, #tpu.memory_space<hbm>>
      tpu.enqueue_indirect_dma source(%dma_start3A_709 : memref<1000000x64xf32, #tpu.memory_space<hbm>>) target(%arg15 : memref<128x64xf32, #tpu.memory_space<vmem>>) offsets(%dma_start3A_706 : memref<128xi32, #tpu.memory_space<vmem>>) semaphore(%arg25 : memref<!tpu.dma_semaphore, #tpu.memory_space<semaphore_mem>>)
    }
    %scan3A_160 = arith.constant 19 : i32
    %dma_wait3A_161 = arith.constant 195 : i32
    %dma_wait3A_162 = arith.constant 0 : i32
    %dma_wait3A_163 = tpu.memref_slice %arg5[%dma_wait3A_161, %dma_wait3A_162] : memref<200x128xi32, #tpu.memory_space<vmem>> -> memref<1x128xi32, #tpu.memory_space<vmem>>
    %dma_wait3A_164 = tpu.memref_squeeze %dma_wait3A_163 : memref<1x128xi32, #tpu.memory_space<vmem>> -> memref<128xi32, #tpu.memory_space<vmem>>
    %dma_wait3A_165 = arith.constant 0 : i32
    %dma_wait3A_166 = arith.constant 0 : i32
    %dma_wait3A_167 = tpu.memref_slice %arg3[%dma_wait3A_165, %dma_wait3A_166] : memref<1000000x64xf32, #tpu.memory_space<hbm>> -> memref<1000000x64xf32, #tpu.memory_space<hbm>>
    tpu.wait_indirect_dma semaphore(%arg21 : memref<!tpu.dma_semaphore, #tpu.memory_space<semaphore_mem>>) src(%dma_wait3A_167 : memref<1000000x64xf32, #tpu.memory_space<hbm>>) dst(%arg11 : memref<128x64xf32, #tpu.memory_space<vmem>>)
    %add3A_168 = arith.constant 195 : i32
    %add3A_169 = arith.addi %mul3A_2, %add3A_168 : i32
    %dma_start3A_170 = arith.constant 0 : i32
    %dma_start3A_171 = arith.constant 0 : i32
    %dma_start3A_172 = tpu.memref_slice %arg4[%add3A_169, %dma_start3A_170, %dma_start3A_171] : memref<6400x128x64xf32, #tpu.memory_space<hbm>> -> memref<1x128x64xf32, #tpu.memory_space<hbm>>
    %dma_start3A_173 = tpu.memref_squeeze %dma_start3A_172 : memref<1x128x64xf32, #tpu.memory_space<hbm>> -> memref<128x64xf32, #tpu.memory_space<hbm>>
    %dma_start3A_174 = arith.constant 0 : i32
    %dma_start3A_175 = arith.constant 0 : i32
    %dma_start3A_176 = tpu.memref_slice %arg4[%add3A_169, %dma_start3A_174, %dma_start3A_175] : memref<6400x128x64xf32, #tpu.memory_space<hbm>> -> memref<1x128x64xf32, #tpu.memory_space<hbm>>
    %dma_start3A_177 = tpu.memref_squeeze %dma_start3A_176 : memref<1x128x64xf32, #tpu.memory_space<hbm>> -> memref<128x64xf32, #tpu.memory_space<hbm>>
    tpu.enqueue_dma source(%arg11 : memref<128x64xf32, #tpu.memory_space<vmem>>) target(%dma_start3A_177 : memref<128x64xf32, #tpu.memory_space<hbm>>) target_semaphore(%arg31 : memref<!tpu.dma_semaphore, #tpu.memory_space<semaphore_mem>>)
    %dma_wait3A_178 = arith.constant 196 : i32
    %dma_wait3A_179 = arith.constant 0 : i32
    %dma_wait3A_180 = tpu.memref_slice %arg5[%dma_wait3A_178, %dma_wait3A_179] : memref<200x128xi32, #tpu.memory_space<vmem>> -> memref<1x128xi32, #tpu.memory_space<vmem>>
    %dma_wait3A_181 = tpu.memref_squeeze %dma_wait3A_180 : memref<1x128xi32, #tpu.memory_space<vmem>> -> memref<128xi32, #tpu.memory_space<vmem>>
    %dma_wait3A_182 = arith.constant 0 : i32
    %dma_wait3A_183 = arith.constant 0 : i32
    %dma_wait3A_184 = tpu.memref_slice %arg3[%dma_wait3A_182, %dma_wait3A_183] : memref<1000000x64xf32, #tpu.memory_space<hbm>> -> memref<1000000x64xf32, #tpu.memory_space<hbm>>
    tpu.wait_indirect_dma semaphore(%arg22 : memref<!tpu.dma_semaphore, #tpu.memory_space<semaphore_mem>>) src(%dma_wait3A_184 : memref<1000000x64xf32, #tpu.memory_space<hbm>>) dst(%arg12 : memref<128x64xf32, #tpu.memory_space<vmem>>)
    %add3A_185 = arith.constant 196 : i32
    %add3A_186 = arith.addi %mul3A_2, %add3A_185 : i32
    %dma_start3A_187 = arith.constant 0 : i32
    %dma_start3A_188 = arith.constant 0 : i32
    %dma_start3A_189 = tpu.memref_slice %arg4[%add3A_186, %dma_start3A_187, %dma_start3A_188] : memref<6400x128x64xf32, #tpu.memory_space<hbm>> -> memref<1x128x64xf32, #tpu.memory_space<hbm>>
    %dma_start3A_190 = tpu.memref_squeeze %dma_start3A_189 : memref<1x128x64xf32, #tpu.memory_space<hbm>> -> memref<128x64xf32, #tpu.memory_space<hbm>>
    %dma_start3A_191 = arith.constant 0 : i32
    %dma_start3A_192 = arith.constant 0 : i32
    %dma_start3A_193 = tpu.memref_slice %arg4[%add3A_186, %dma_start3A_191, %dma_start3A_192] : memref<6400x128x64xf32, #tpu.memory_space<hbm>> -> memref<1x128x64xf32, #tpu.memory_space<hbm>>
    %dma_start3A_194 = tpu.memref_squeeze %dma_start3A_193 : memref<1x128x64xf32, #tpu.memory_space<hbm>> -> memref<128x64xf32, #tpu.memory_space<hbm>>
    tpu.enqueue_dma source(%arg12 : memref<128x64xf32, #tpu.memory_space<vmem>>) target(%dma_start3A_194 : memref<128x64xf32, #tpu.memory_space<hbm>>) target_semaphore(%arg32 : memref<!tpu.dma_semaphore, #tpu.memory_space<semaphore_mem>>)
    %dma_wait3A_195 = arith.constant 197 : i32
    %dma_wait3A_196 = arith.constant 0 : i32
    %dma_wait3A_197 = tpu.memref_slice %arg5[%dma_wait3A_195, %dma_wait3A_196] : memref<200x128xi32, #tpu.memory_space<vmem>> -> memref<1x128xi32, #tpu.memory_space<vmem>>
    %dma_wait3A_198 = tpu.memref_squeeze %dma_wait3A_197 : memref<1x128xi32, #tpu.memory_space<vmem>> -> memref<128xi32, #tpu.memory_space<vmem>>
    %dma_wait3A_199 = arith.constant 0 : i32
    %dma_wait3A_200 = arith.constant 0 : i32
    %dma_wait3A_201 = tpu.memref_slice %arg3[%dma_wait3A_199, %dma_wait3A_200] : memref<1000000x64xf32, #tpu.memory_space<hbm>> -> memref<1000000x64xf32, #tpu.memory_space<hbm>>
    tpu.wait_indirect_dma semaphore(%arg23 : memref<!tpu.dma_semaphore, #tpu.memory_space<semaphore_mem>>) src(%dma_wait3A_201 : memref<1000000x64xf32, #tpu.memory_space<hbm>>) dst(%arg13 : memref<128x64xf32, #tpu.memory_space<vmem>>)
    %add3A_202 = arith.constant 197 : i32
    %add3A_203 = arith.addi %mul3A_2, %add3A_202 : i32
    %dma_start3A_204 = arith.constant 0 : i32
    %dma_start3A_205 = arith.constant 0 : i32
    %dma_start3A_206 = tpu.memref_slice %arg4[%add3A_203, %dma_start3A_204, %dma_start3A_205] : memref<6400x128x64xf32, #tpu.memory_space<hbm>> -> memref<1x128x64xf32, #tpu.memory_space<hbm>>
    %dma_start3A_207 = tpu.memref_squeeze %dma_start3A_206 : memref<1x128x64xf32, #tpu.memory_space<hbm>> -> memref<128x64xf32, #tpu.memory_space<hbm>>
    %dma_start3A_208 = arith.constant 0 : i32
    %dma_start3A_209 = arith.constant 0 : i32
    %dma_start3A_210 = tpu.memref_slice %arg4[%add3A_203, %dma_start3A_208, %dma_start3A_209] : memref<6400x128x64xf32, #tpu.memory_space<hbm>> -> memref<1x128x64xf32, #tpu.memory_space<hbm>>
    %dma_start3A_211 = tpu.memref_squeeze %dma_start3A_210 : memref<1x128x64xf32, #tpu.memory_space<hbm>> -> memref<128x64xf32, #tpu.memory_space<hbm>>
    tpu.enqueue_dma source(%arg13 : memref<128x64xf32, #tpu.memory_space<vmem>>) target(%dma_start3A_211 : memref<128x64xf32, #tpu.memory_space<hbm>>) target_semaphore(%arg33 : memref<!tpu.dma_semaphore, #tpu.memory_space<semaphore_mem>>)
    %dma_wait3A_212 = arith.constant 198 : i32
    %dma_wait3A_213 = arith.constant 0 : i32
    %dma_wait3A_214 = tpu.memref_slice %arg5[%dma_wait3A_212, %dma_wait3A_213] : memref<200x128xi32, #tpu.memory_space<vmem>> -> memref<1x128xi32, #tpu.memory_space<vmem>>
    %dma_wait3A_215 = tpu.memref_squeeze %dma_wait3A_214 : memref<1x128xi32, #tpu.memory_space<vmem>> -> memref<128xi32, #tpu.memory_space<vmem>>
    %dma_wait3A_216 = arith.constant 0 : i32
    %dma_wait3A_217 = arith.constant 0 : i32
    %dma_wait3A_218 = tpu.memref_slice %arg3[%dma_wait3A_216, %dma_wait3A_217] : memref<1000000x64xf32, #tpu.memory_space<hbm>> -> memref<1000000x64xf32, #tpu.memory_space<hbm>>
    tpu.wait_indirect_dma semaphore(%arg24 : memref<!tpu.dma_semaphore, #tpu.memory_space<semaphore_mem>>) src(%dma_wait3A_218 : memref<1000000x64xf32, #tpu.memory_space<hbm>>) dst(%arg14 : memref<128x64xf32, #tpu.memory_space<vmem>>)
    %add3A_219 = arith.constant 198 : i32
    %add3A_220 = arith.addi %mul3A_2, %add3A_219 : i32
    %dma_start3A_221 = arith.constant 0 : i32
    %dma_start3A_222 = arith.constant 0 : i32
    %dma_start3A_223 = tpu.memref_slice %arg4[%add3A_220, %dma_start3A_221, %dma_start3A_222] : memref<6400x128x64xf32, #tpu.memory_space<hbm>> -> memref<1x128x64xf32, #tpu.memory_space<hbm>>
    %dma_start3A_224 = tpu.memref_squeeze %dma_start3A_223 : memref<1x128x64xf32, #tpu.memory_space<hbm>> -> memref<128x64xf32, #tpu.memory_space<hbm>>
    %dma_start3A_225 = arith.constant 0 : i32
    %dma_start3A_226 = arith.constant 0 : i32
    %dma_start3A_227 = tpu.memref_slice %arg4[%add3A_220, %dma_start3A_225, %dma_start3A_226] : memref<6400x128x64xf32, #tpu.memory_space<hbm>> -> memref<1x128x64xf32, #tpu.memory_space<hbm>>
    %dma_start3A_228 = tpu.memref_squeeze %dma_start3A_227 : memref<1x128x64xf32, #tpu.memory_space<hbm>> -> memref<128x64xf32, #tpu.memory_space<hbm>>
    tpu.enqueue_dma source(%arg14 : memref<128x64xf32, #tpu.memory_space<vmem>>) target(%dma_start3A_228 : memref<128x64xf32, #tpu.memory_space<hbm>>) target_semaphore(%arg34 : memref<!tpu.dma_semaphore, #tpu.memory_space<semaphore_mem>>)
    %dma_wait3A_229 = arith.constant 199 : i32
    %dma_wait3A_230 = arith.constant 0 : i32
    %dma_wait3A_231 = tpu.memref_slice %arg5[%dma_wait3A_229, %dma_wait3A_230] : memref<200x128xi32, #tpu.memory_space<vmem>> -> memref<1x128xi32, #tpu.memory_space<vmem>>
    %dma_wait3A_232 = tpu.memref_squeeze %dma_wait3A_231 : memref<1x128xi32, #tpu.memory_space<vmem>> -> memref<128xi32, #tpu.memory_space<vmem>>
    %dma_wait3A_233 = arith.constant 0 : i32
    %dma_wait3A_234 = arith.constant 0 : i32
    %dma_wait3A_235 = tpu.memref_slice %arg3[%dma_wait3A_233, %dma_wait3A_234] : memref<1000000x64xf32, #tpu.memory_space<hbm>> -> memref<1000000x64xf32, #tpu.memory_space<hbm>>
    tpu.wait_indirect_dma semaphore(%arg25 : memref<!tpu.dma_semaphore, #tpu.memory_space<semaphore_mem>>) src(%dma_wait3A_235 : memref<1000000x64xf32, #tpu.memory_space<hbm>>) dst(%arg15 : memref<128x64xf32, #tpu.memory_space<vmem>>)
    %add3A_236 = arith.constant 199 : i32
    %add3A_237 = arith.addi %mul3A_2, %add3A_236 : i32
    %dma_start3A_238 = arith.constant 0 : i32
    %dma_start3A_239 = arith.constant 0 : i32
    %dma_start3A_240 = tpu.memref_slice %arg4[%add3A_237, %dma_start3A_238, %dma_start3A_239] : memref<6400x128x64xf32, #tpu.memory_space<hbm>> -> memref<1x128x64xf32, #tpu.memory_space<hbm>>
    %dma_start3A_241 = tpu.memref_squeeze %dma_start3A_240 : memref<1x128x64xf32, #tpu.memory_space<hbm>> -> memref<128x64xf32, #tpu.memory_space<hbm>>
    %dma_start3A_242 = arith.constant 0 : i32
    %dma_start3A_243 = arith.constant 0 : i32
    %dma_start3A_244 = tpu.memref_slice %arg4[%add3A_237, %dma_start3A_242, %dma_start3A_243] : memref<6400x128x64xf32, #tpu.memory_space<hbm>> -> memref<1x128x64xf32, #tpu.memory_space<hbm>>
    %dma_start3A_245 = tpu.memref_squeeze %dma_start3A_244 : memref<1x128x64xf32, #tpu.memory_space<hbm>> -> memref<128x64xf32, #tpu.memory_space<hbm>>
    tpu.enqueue_dma source(%arg15 : memref<128x64xf32, #tpu.memory_space<vmem>>) target(%dma_start3A_245 : memref<128x64xf32, #tpu.memory_space<hbm>>) target_semaphore(%arg35 : memref<!tpu.dma_semaphore, #tpu.memory_space<semaphore_mem>>)
    %add3A_246 = arith.constant 190 : i32
    %add3A_247 = arith.addi %mul3A_2, %add3A_246 : i32
    %dma_wait3A_248 = arith.constant 0 : i32
    %dma_wait3A_249 = arith.constant 0 : i32
    %dma_wait3A_250 = tpu.memref_slice %arg4[%add3A_247, %dma_wait3A_248, %dma_wait3A_249] : memref<6400x128x64xf32, #tpu.memory_space<hbm>> -> memref<1x128x64xf32, #tpu.memory_space<hbm>>
    %dma_wait3A_251 = tpu.memref_squeeze %dma_wait3A_250 : memref<1x128x64xf32, #tpu.memory_space<hbm>> -> memref<128x64xf32, #tpu.memory_space<hbm>>
    %dma_wait3A_252 = arith.constant 0 : i32
    %dma_wait3A_253 = arith.constant 0 : i32
    %dma_wait3A_254 = tpu.memref_slice %arg4[%add3A_247, %dma_wait3A_252, %dma_wait3A_253] : memref<6400x128x64xf32, #tpu.memory_space<hbm>> -> memref<1x128x64xf32, #tpu.memory_space<hbm>>
    %dma_wait3A_255 = tpu.memref_squeeze %dma_wait3A_254 : memref<1x128x64xf32, #tpu.memory_space<hbm>> -> memref<128x64xf32, #tpu.memory_space<hbm>>
    tpu.wait_dma2 semaphore(%arg26 : memref<!tpu.dma_semaphore, #tpu.memory_space<semaphore_mem>>) src(%arg6 : memref<128x64xf32, #tpu.memory_space<vmem>>) dst(%dma_wait3A_255 : memref<128x64xf32, #tpu.memory_space<hbm>>)
    %add3A_256 = arith.constant 191 : i32
    %add3A_257 = arith.addi %mul3A_2, %add3A_256 : i32
    %dma_wait3A_258 = arith.constant 0 : i32
    %dma_wait3A_259 = arith.constant 0 : i32
    %dma_wait3A_260 = tpu.memref_slice %arg4[%add3A_257, %dma_wait3A_258, %dma_wait3A_259] : memref<6400x128x64xf32, #tpu.memory_space<hbm>> -> memref<1x128x64xf32, #tpu.memory_space<hbm>>
    %dma_wait3A_261 = tpu.memref_squeeze %dma_wait3A_260 : memref<1x128x64xf32, #tpu.memory_space<hbm>> -> memref<128x64xf32, #tpu.memory_space<hbm>>
    %dma_wait3A_262 = arith.constant 0 : i32
    %dma_wait3A_263 = arith.constant 0 : i32
    %dma_wait3A_264 = tpu.memref_slice %arg4[%add3A_257, %dma_wait3A_262, %dma_wait3A_263] : memref<6400x128x64xf32, #tpu.memory_space<hbm>> -> memref<1x128x64xf32, #tpu.memory_space<hbm>>
    %dma_wait3A_265 = tpu.memref_squeeze %dma_wait3A_264 : memref<1x128x64xf32, #tpu.memory_space<hbm>> -> memref<128x64xf32, #tpu.memory_space<hbm>>
    tpu.wait_dma2 semaphore(%arg27 : memref<!tpu.dma_semaphore, #tpu.memory_space<semaphore_mem>>) src(%arg7 : memref<128x64xf32, #tpu.memory_space<vmem>>) dst(%dma_wait3A_265 : memref<128x64xf32, #tpu.memory_space<hbm>>)
    %add3A_266 = arith.constant 192 : i32
    %add3A_267 = arith.addi %mul3A_2, %add3A_266 : i32
    %dma_wait3A_268 = arith.constant 0 : i32
    %dma_wait3A_269 = arith.constant 0 : i32
    %dma_wait3A_270 = tpu.memref_slice %arg4[%add3A_267, %dma_wait3A_268, %dma_wait3A_269] : memref<6400x128x64xf32, #tpu.memory_space<hbm>> -> memref<1x128x64xf32, #tpu.memory_space<hbm>>
    %dma_wait3A_271 = tpu.memref_squeeze %dma_wait3A_270 : memref<1x128x64xf32, #tpu.memory_space<hbm>> -> memref<128x64xf32, #tpu.memory_space<hbm>>
    %dma_wait3A_272 = arith.constant 0 : i32
    %dma_wait3A_273 = arith.constant 0 : i32
    %dma_wait3A_274 = tpu.memref_slice %arg4[%add3A_267, %dma_wait3A_272, %dma_wait3A_273] : memref<6400x128x64xf32, #tpu.memory_space<hbm>> -> memref<1x128x64xf32, #tpu.memory_space<hbm>>
    %dma_wait3A_275 = tpu.memref_squeeze %dma_wait3A_274 : memref<1x128x64xf32, #tpu.memory_space<hbm>> -> memref<128x64xf32, #tpu.memory_space<hbm>>
    tpu.wait_dma2 semaphore(%arg28 : memref<!tpu.dma_semaphore, #tpu.memory_space<semaphore_mem>>) src(%arg8 : memref<128x64xf32, #tpu.memory_space<vmem>>) dst(%dma_wait3A_275 : memref<128x64xf32, #tpu.memory_space<hbm>>)
    %add3A_276 = arith.constant 193 : i32
    %add3A_277 = arith.addi %mul3A_2, %add3A_276 : i32
    %dma_wait3A_278 = arith.constant 0 : i32
    %dma_wait3A_279 = arith.constant 0 : i32
    %dma_wait3A_280 = tpu.memref_slice %arg4[%add3A_277, %dma_wait3A_278, %dma_wait3A_279] : memref<6400x128x64xf32, #tpu.memory_space<hbm>> -> memref<1x128x64xf32, #tpu.memory_space<hbm>>
    %dma_wait3A_281 = tpu.memref_squeeze %dma_wait3A_280 : memref<1x128x64xf32, #tpu.memory_space<hbm>> -> memref<128x64xf32, #tpu.memory_space<hbm>>
    %dma_wait3A_282 = arith.constant 0 : i32
    %dma_wait3A_283 = arith.constant 0 : i32
    %dma_wait3A_284 = tpu.memref_slice %arg4[%add3A_277, %dma_wait3A_282, %dma_wait3A_283] : memref<6400x128x64xf32, #tpu.memory_space<hbm>> -> memref<1x128x64xf32, #tpu.memory_space<hbm>>
    %dma_wait3A_285 = tpu.memref_squeeze %dma_wait3A_284 : memref<1x128x64xf32, #tpu.memory_space<hbm>> -> memref<128x64xf32, #tpu.memory_space<hbm>>
    tpu.wait_dma2 semaphore(%arg29 : memref<!tpu.dma_semaphore, #tpu.memory_space<semaphore_mem>>) src(%arg9 : memref<128x64xf32, #tpu.memory_space<vmem>>) dst(%dma_wait3A_285 : memref<128x64xf32, #tpu.memory_space<hbm>>)
    %add3A_286 = arith.constant 194 : i32
    %add3A_287 = arith.addi %mul3A_2, %add3A_286 : i32
    %dma_wait3A_288 = arith.constant 0 : i32
    %dma_wait3A_289 = arith.constant 0 : i32
    %dma_wait3A_290 = tpu.memref_slice %arg4[%add3A_287, %dma_wait3A_288, %dma_wait3A_289] : memref<6400x128x64xf32, #tpu.memory_space<hbm>> -> memref<1x128x64xf32, #tpu.memory_space<hbm>>
    %dma_wait3A_291 = tpu.memref_squeeze %dma_wait3A_290 : memref<1x128x64xf32, #tpu.memory_space<hbm>> -> memref<128x64xf32, #tpu.memory_space<hbm>>
    %dma_wait3A_292 = arith.constant 0 : i32
    %dma_wait3A_293 = arith.constant 0 : i32
    %dma_wait3A_294 = tpu.memref_slice %arg4[%add3A_287, %dma_wait3A_292, %dma_wait3A_293] : memref<6400x128x64xf32, #tpu.memory_space<hbm>> -> memref<1x128x64xf32, #tpu.memory_space<hbm>>
    %dma_wait3A_295 = tpu.memref_squeeze %dma_wait3A_294 : memref<1x128x64xf32, #tpu.memory_space<hbm>> -> memref<128x64xf32, #tpu.memory_space<hbm>>
    tpu.wait_dma2 semaphore(%arg30 : memref<!tpu.dma_semaphore, #tpu.memory_space<semaphore_mem>>) src(%arg10 : memref<128x64xf32, #tpu.memory_space<vmem>>) dst(%dma_wait3A_295 : memref<128x64xf32, #tpu.memory_space<hbm>>)
    %add3A_296 = arith.constant 195 : i32
    %add3A_297 = arith.addi %mul3A_2, %add3A_296 : i32
    %dma_wait3A_298 = arith.constant 0 : i32
    %dma_wait3A_299 = arith.constant 0 : i32
    %dma_wait3A_300 = tpu.memref_slice %arg4[%add3A_297, %dma_wait3A_298, %dma_wait3A_299] : memref<6400x128x64xf32, #tpu.memory_space<hbm>> -> memref<1x128x64xf32, #tpu.memory_space<hbm>>
    %dma_wait3A_301 = tpu.memref_squeeze %dma_wait3A_300 : memref<1x128x64xf32, #tpu.memory_space<hbm>> -> memref<128x64xf32, #tpu.memory_space<hbm>>
    %dma_wait3A_302 = arith.constant 0 : i32
    %dma_wait3A_303 = arith.constant 0 : i32
    %dma_wait3A_304 = tpu.memref_slice %arg4[%add3A_297, %dma_wait3A_302, %dma_wait3A_303] : memref<6400x128x64xf32, #tpu.memory_space<hbm>> -> memref<1x128x64xf32, #tpu.memory_space<hbm>>
    %dma_wait3A_305 = tpu.memref_squeeze %dma_wait3A_304 : memref<1x128x64xf32, #tpu.memory_space<hbm>> -> memref<128x64xf32, #tpu.memory_space<hbm>>
    tpu.wait_dma2 semaphore(%arg31 : memref<!tpu.dma_semaphore, #tpu.memory_space<semaphore_mem>>) src(%arg11 : memref<128x64xf32, #tpu.memory_space<vmem>>) dst(%dma_wait3A_305 : memref<128x64xf32, #tpu.memory_space<hbm>>)
    %add3A_306 = arith.constant 196 : i32
    %add3A_307 = arith.addi %mul3A_2, %add3A_306 : i32
    %dma_wait3A_308 = arith.constant 0 : i32
    %dma_wait3A_309 = arith.constant 0 : i32
    %dma_wait3A_310 = tpu.memref_slice %arg4[%add3A_307, %dma_wait3A_308, %dma_wait3A_309] : memref<6400x128x64xf32, #tpu.memory_space<hbm>> -> memref<1x128x64xf32, #tpu.memory_space<hbm>>
    %dma_wait3A_311 = tpu.memref_squeeze %dma_wait3A_310 : memref<1x128x64xf32, #tpu.memory_space<hbm>> -> memref<128x64xf32, #tpu.memory_space<hbm>>
    %dma_wait3A_312 = arith.constant 0 : i32
    %dma_wait3A_313 = arith.constant 0 : i32
    %dma_wait3A_314 = tpu.memref_slice %arg4[%add3A_307, %dma_wait3A_312, %dma_wait3A_313] : memref<6400x128x64xf32, #tpu.memory_space<hbm>> -> memref<1x128x64xf32, #tpu.memory_space<hbm>>
    %dma_wait3A_315 = tpu.memref_squeeze %dma_wait3A_314 : memref<1x128x64xf32, #tpu.memory_space<hbm>> -> memref<128x64xf32, #tpu.memory_space<hbm>>
    tpu.wait_dma2 semaphore(%arg32 : memref<!tpu.dma_semaphore, #tpu.memory_space<semaphore_mem>>) src(%arg12 : memref<128x64xf32, #tpu.memory_space<vmem>>) dst(%dma_wait3A_315 : memref<128x64xf32, #tpu.memory_space<hbm>>)
    %add3A_316 = arith.constant 197 : i32
    %add3A_317 = arith.addi %mul3A_2, %add3A_316 : i32
    %dma_wait3A_318 = arith.constant 0 : i32
    %dma_wait3A_319 = arith.constant 0 : i32
    %dma_wait3A_320 = tpu.memref_slice %arg4[%add3A_317, %dma_wait3A_318, %dma_wait3A_319] : memref<6400x128x64xf32, #tpu.memory_space<hbm>> -> memref<1x128x64xf32, #tpu.memory_space<hbm>>
    %dma_wait3A_321 = tpu.memref_squeeze %dma_wait3A_320 : memref<1x128x64xf32, #tpu.memory_space<hbm>> -> memref<128x64xf32, #tpu.memory_space<hbm>>
    %dma_wait3A_322 = arith.constant 0 : i32
    %dma_wait3A_323 = arith.constant 0 : i32
    %dma_wait3A_324 = tpu.memref_slice %arg4[%add3A_317, %dma_wait3A_322, %dma_wait3A_323] : memref<6400x128x64xf32, #tpu.memory_space<hbm>> -> memref<1x128x64xf32, #tpu.memory_space<hbm>>
    %dma_wait3A_325 = tpu.memref_squeeze %dma_wait3A_324 : memref<1x128x64xf32, #tpu.memory_space<hbm>> -> memref<128x64xf32, #tpu.memory_space<hbm>>
    tpu.wait_dma2 semaphore(%arg33 : memref<!tpu.dma_semaphore, #tpu.memory_space<semaphore_mem>>) src(%arg13 : memref<128x64xf32, #tpu.memory_space<vmem>>) dst(%dma_wait3A_325 : memref<128x64xf32, #tpu.memory_space<hbm>>)
    %add3A_326 = arith.constant 198 : i32
    %add3A_327 = arith.addi %mul3A_2, %add3A_326 : i32
    %dma_wait3A_328 = arith.constant 0 : i32
    %dma_wait3A_329 = arith.constant 0 : i32
    %dma_wait3A_330 = tpu.memref_slice %arg4[%add3A_327, %dma_wait3A_328, %dma_wait3A_329] : memref<6400x128x64xf32, #tpu.memory_space<hbm>> -> memref<1x128x64xf32, #tpu.memory_space<hbm>>
    %dma_wait3A_331 = tpu.memref_squeeze %dma_wait3A_330 : memref<1x128x64xf32, #tpu.memory_space<hbm>> -> memref<128x64xf32, #tpu.memory_space<hbm>>
    %dma_wait3A_332 = arith.constant 0 : i32
    %dma_wait3A_333 = arith.constant 0 : i32
    %dma_wait3A_334 = tpu.memref_slice %arg4[%add3A_327, %dma_wait3A_332, %dma_wait3A_333] : memref<6400x128x64xf32, #tpu.memory_space<hbm>> -> memref<1x128x64xf32, #tpu.memory_space<hbm>>
    %dma_wait3A_335 = tpu.memref_squeeze %dma_wait3A_334 : memref<1x128x64xf32, #tpu.memory_space<hbm>> -> memref<128x64xf32, #tpu.memory_space<hbm>>
    tpu.wait_dma2 semaphore(%arg34 : memref<!tpu.dma_semaphore, #tpu.memory_space<semaphore_mem>>) src(%arg14 : memref<128x64xf32, #tpu.memory_space<vmem>>) dst(%dma_wait3A_335 : memref<128x64xf32, #tpu.memory_space<hbm>>)
    %add3A_336 = arith.constant 199 : i32
    %add3A_337 = arith.addi %mul3A_2, %add3A_336 : i32
    %dma_wait3A_338 = arith.constant 0 : i32
    %dma_wait3A_339 = arith.constant 0 : i32
    %dma_wait3A_340 = tpu.memref_slice %arg4[%add3A_337, %dma_wait3A_338, %dma_wait3A_339] : memref<6400x128x64xf32, #tpu.memory_space<hbm>> -> memref<1x128x64xf32, #tpu.memory_space<hbm>>
    %dma_wait3A_341 = tpu.memref_squeeze %dma_wait3A_340 : memref<1x128x64xf32, #tpu.memory_space<hbm>> -> memref<128x64xf32, #tpu.memory_space<hbm>>
    %dma_wait3A_342 = arith.constant 0 : i32
    %dma_wait3A_343 = arith.constant 0 : i32
    %dma_wait3A_344 = tpu.memref_slice %arg4[%add3A_337, %dma_wait3A_342, %dma_wait3A_343] : memref<6400x128x64xf32, #tpu.memory_space<hbm>> -> memref<1x128x64xf32, #tpu.memory_space<hbm>>
    %dma_wait3A_345 = tpu.memref_squeeze %dma_wait3A_344 : memref<1x128x64xf32, #tpu.memory_space<hbm>> -> memref<128x64xf32, #tpu.memory_space<hbm>>
    tpu.wait_dma2 semaphore(%arg35 : memref<!tpu.dma_semaphore, #tpu.memory_space<semaphore_mem>>) src(%arg15 : memref<128x64xf32, #tpu.memory_space<vmem>>) dst(%dma_wait3A_345 : memref<128x64xf32, #tpu.memory_space<hbm>>)
    return
  }
}

</mosaic_0001>

<sc_bundles>
// kernel: kernel.3.cloned.1.call-start
scs
__scs_entry_jumppad:
0x0: {  	(pc) =	sbr.rel $0x88, $3  }
0x1: {  	(tag) =	ssettag $0x0;
	lr =	simm.s32 $0x1  }
0x2: {  	[smem:$0x3F9F] =	sst lr;
	_ =	strace $0xD0000000  }
0x3: {  	_ = 	snop  }
0x4: {  	_ = 	snop  }
0x5: {  	_ = 	snop  }
0x6: {  	_ = 	snop  }
0x7: {  	_ = 	snop  }
__scs_overlays_trampoline_lowered:
0x8: {  	[smem:$0x3FAE] =	sst s0  }
0x9: {  	[smem:$0x3FAF] =	sst s1  }
0xa: {  	[smem:$0x3FB0] =	sst s2  }
0xb: {  	[smem:$0x3FB1] =	sst s3  }
0xc: {  	[smem:$0x3FB2] =	sst s4  }
0xd: {  	[smem:$0x3FB3] =	sst s5  }
0xe: {  	[smem:$0x3FB4] =	sst s6  }
0xf: {  	[smem:$0x3FB5] =	sst s7  }
0x10: {  	[smem:$0x3FB6] =	sst s8  }
0x11: {  	[smem:$0x3FB7] =	sst s9;
	s0 =	simm.s32 @!p0 $0x0  }
0x12: {  	s1 =	sld [smem:$0x3F9D];
	s0 =	simm.s32 @p0 $0x1  }
0x13: {  	[smem:$0x3FB8] =	sst s0;
	s0 =	simm.s32 @!p1 $0x0  }
0x14: {  	s2 =	sld [smem:$0x3F9C];
	s0 =	simm.s32 @p1 $0x1  }
0x15: {  	[smem:$0x3FB9] =	sst s0;
	s0 =	simm.s32 @!p2 $0x0  }
0x16: {  	s3 =	sld [smem:$0x3FDB];
	s0 =	simm.s32 @p2 $0x1  }
0x17: {  	s4 =	simm.s32 $0x1BF5;
	[smem:$0x3FBB] =	sst s0  }
0x18: {  	s0 =	sld [smem:$0x3F9E];
	_ =	swait.ge [sflag:s4], $0x0  }
0x19: {  	s7 =	sld [smem:$0x3F9F]  }
0x1a: {  	s8 =	sadd.s32 $0xFFFFE003, lr  }
0x1b: {  	s9 =	sadd.s32 $0xFFFFFEF7, lr;
	s5 =	simm.s32 $0xFFFFFFFF;
	p2 =	slt.u32 s8, $0xFFFFF086  }
0x1c: {  	p1 =	slt.u32 s9, $0xF7A;
	s5 =	simm.s32 @!p2 $0x0  }
0x1d: {  	s5 =	simm.s32 @p1 $0x1;
	p0 =	seq.s32 s7, s2  }
0x1e: {  	s7 =	smul.u32 @!p0 $0xF7A, s2;
	p2 =	seq.s32 @!p0 s5, $0x0  }
0x1f: {  	s9 =	smul.u32 $0xF7A, s1;
	s8 =	simm.s32 @!p0 $0x1BF5;
	p2 =	por !p2, p0  }
0x20: {  	[sflag:s8] =	ssyncset.s32 @!p0 $0xFFFFF086;
	s6 =	sadd.s32 @!p0 s3, s7;
	s7 =	simm.s32 @!p0 $0x108  }
0x21: {  	s3 =	sadd.s32 s3, s9;
	s6 =	sadd.s32 @!p0 $0x88, s6;
	s7 =	simm.s32 @p2 $0x1082  }
0x22: {  	[simem:s7], [sflag:s8] =	dma.local @!p0 [hbm:s6], $0xF7A  }
0x23: {  	s9 =	sor.u32 $0xD0000000, s2;
	s6 =	simm.s32 $0x108;
	_ =	swait.ge @!p0 [sflag:s8], $0x0  }
0x24: {  	s3 =	sadd.s32 $0x88, s3;
	s6 =	simm.s32 @!p1 $0x1082;
	[sflag:s4] =	ssyncset.s32 $0xFFFFF086  }
0x25: {  	[simem:s6], [sflag:s4] =	dma.local [hbm:s3], $0xF7A  }
0x26: {  	[smem:$0x3F9F] =	sst s1;
	(tag) =	ssettag s2;
	_ =	strace s9  }
0x27: {  	s1 =	sld [smem:$0x3FAF]  }
0x28: {  	s2 =	sld [smem:$0x3FB0]  }
0x29: {  	s4 =	sld [smem:$0x3FB2]  }
0x2a: {  	p0 =	seq.s32 s5, $0x0;
	s5 =	sld [smem:$0x3FB3]  }
0x2b: {  	s6 =	sld [smem:$0x3FB4]  }
0x2c: {  	s7 =	sld [smem:$0x3FB5]  }
0x2d: {  	s3 =	simm.s32 $0x108;
	s8 =	sld [smem:$0x3FB6]  }
0x2e: {  	s3 =	simm.s32 @!p0 $0x1082;
	s9 =	sld [smem:$0x3FB7]  }
0x2f: {  	lr =	sadd.s32 s0, s3;
	s0 =	sld [smem:$0x3FAE]  }
0x30: {  	s3 =	sld [smem:$0x3FB1]  }
0x31: {  	[smem:$0x3FBA] =	sst s10  }
0x32: {  	s10 =	sld [smem:$0x3FB8];
	_ =	sdelay $0x3  }
0x33: {  	p0 =	seq.s32 s10, $0x1;
	s10 =	sld [smem:$0x3FBA];
	_ =	sdelay $0x3  }
0x34: {  	[smem:$0x3FBA] =	sst s10  }
0x35: {  	s10 =	sld [smem:$0x3FB9];
	_ =	sdelay $0x3  }
0x36: {  	p1 =	seq.s32 s10, $0x1;
	s10 =	sld [smem:$0x3FBA];
	_ =	sdelay $0x3  }
0x37: {  	[smem:$0x3FBA] =	sst s10  }
0x38: {  	s10 =	sld [smem:$0x3FBB]  }
0x39: {  	_ = 	snop;
	(pc) =	sbr.ind lr, $3  }
0x3a: {  	_ = 	snop  }
0x3b: {  	_ = 	snop  }
0x3c: {  	p2 =	seq.s32 s10, $0x1;
	s10 =	sld [smem:$0x3FBA]  }
0x3d: {  	_ =	shalt  }
0x3e: {  	_ =	shalt  }
0x3f: {  	_ =	shalt  }
0x40: {  	_ =	shalt  }
0x41: {  	_ =	shalt  }
0x42: {  	_ =	shalt  }
0x43: {  	_ =	shalt  }
0x44: {  	_ =	shalt  }
0x45: {  	_ =	shalt  }
0x46: {  	_ =	shalt  }
0x47: {  	_ =	shalt  }
0x48: {  	_ =	shalt  }
0x49: {  	_ =	shalt  }
0x4a: {  	_ =	shalt  }
0x4b: {  	_ =	shalt  }
0x4c: {  	_ =	shalt  }
0x4d: {  	_ =	shalt  }
0x4e: {  	_ =	shalt  }
0x4f: {  	_ =	shalt  }
0x50: {  	_ =	shalt  }
0x51: {  	_ =	shalt  }
0x52: {  	_ =	shalt  }
0x53: {  	_ =	shalt  }
0x54: {  	_ =	shalt  }
0x55: {  	_ =	shalt  }
0x56: {  	_ =	shalt  }
0x57: {  	_ =	shalt  }
0x58: {  	_ =	shalt  }
0x59: {  	_ =	shalt  }
0x5a: {  	_ =	shalt  }
0x5b: {  	_ =	shalt  }
0x5c: {  	_ =	shalt  }
0x5d: {  	_ =	shalt  }
0x5e: {  	_ =	shalt  }
0x5f: {  	_ =	shalt  }
0x60: {  	_ =	shalt  }
0x61: {  	_ =	shalt  }
0x62: {  	_ =	shalt  }
0x63: {  	_ =	shalt  }
0x64: {  	_ =	shalt  }
0x65: {  	_ =	shalt  }
0x66: {  	_ =	shalt  }
0x67: {  	_ =	shalt  }
0x68: {  	_ =	shalt  }
0x69: {  	_ =	shalt  }
0x6a: {  	_ =	shalt  }
0x6b: {  	_ =	shalt  }
0x6c: {  	_ =	shalt  }
0x6d: {  	_ =	shalt  }
0x6e: {  	_ =	shalt  }
0x6f: {  	_ =	shalt  }
0x70: {  	_ =	shalt  }
0x71: {  	_ =	shalt  }
0x72: {  	_ =	shalt  }
0x73: {  	_ =	shalt  }
0x74: {  	_ =	shalt  }
0x75: {  	_ =	shalt  }
0x76: {  	_ =	shalt  }
0x77: {  	_ =	shalt  }
0x78: {  	_ =	shalt  }
0x79: {  	_ =	shalt  }
0x7a: {  	_ =	shalt  }
0x7b: {  	_ =	shalt  }
0x7c: {  	_ =	shalt  }
0x7d: {  	_ =	shalt  }
0x7e: {  	_ =	shalt  }
0x7f: {  	_ =	shalt  }
0x80: {  	_ =	shalt  }
0x81: {  	_ =	shalt  }
0x82: {  	_ =	shalt  }
0x83: {  	_ =	shalt  }
0x84: {  	_ =	shalt  }
0x85: {  	_ =	shalt  }
0x86: {  	_ =	shalt  }
0x87: {  	_ =	shalt  }
.Lfunc_end0:
.L_simem_size_0:
called_computation.1_lowered:
.L_overlay_start_0:
0x88: {  	s2 =	sld [smem:$0x3FD9]  }
0x89: {  	s3 =	sld [smem:$0x3FFE];
	_ =	sdelay $0x1  }
0x8a: {  	s1 =	srdreg.scid  }
0x8b: {  	s0 =	sand.u32 $0x1, s1  }
0x8c: {  	s17 =	sshll.u32 s0, $0xA;
	s2 =	sadd.s32 s3, s2  }
0x8d: {  	s2 =	sadd.s32 s2, s17  }
0x8e: {  	[smem:$0x3FC6] =	sst s2  }
0x8f: {  	_ = 	snop  }
0x90: {  	s2 =	sld [smem:$0x3FD0];
	(tm) =	ssettm $0x1  }
0x91: {  	s18 =	sld [smem:$0x3FFB];
	_ =	sdelay $0x3  }
0x92: {  	_ =	strace s18  }
0x93: {  	s3 =	sld [smem:$0x3FFC];
	_ =	sdelay $0x3  }
0x94: {  	_ =	strace s3  }
0x95: {  	s3 =	sld [smem:$0x3FFD];
	_ =	sdelay $0x3  }
0x96: {  	_ =	strace s3  }
0x97: {  	_ =	strace $0x8FFFFFFF  }
0x98: {  	s19 =	sld [smem:$0x3FDB];
	_ =	sdelay $0x1  }
0x99: {  	s4 =	simm.s32 $_scs_section_size  }
0x9a: {  	s5 =	simm.s32 $_size__tile_overlayer_lowered;
	s6 =	simm.s32 $_tile_overlayer_lowered  }
0x9b: {  	s22 =	simm.s32 $0x1BFF;
	s21 =	sshll.u32 s6, $0x1;
	s3 =	sadd.s32 s4, s19  }
0x9c: {  	s7 =	simm.s32 $0x0;
	s20 =	sshll.u32 s5, $0x1;
	s5 =	sadd.s32 s21, s3  }
0x9d: {  	[timem:s7], [sflag:s22] =	dma.local [hbm:s5], s20  }
0x9e: {  	_ =	swait.ge [sflag:s22], s20  }
0x9f: {  	s4 =	ssub.s32 $0x0, s20;
	[sflag:s22] =	ssyncset.done $0x0  }
0xa0: {  	[sflag:s22] =	ssyncadd.s32 s4;
	_ =	sdelay $0x1  }
0xa1: {  	s23 =	simm.s32 $0x1B8B  }
0xa2: {  	_ =	swait.ge [sflag:s23], $0x1  }
0xa3: {  	[sflag:s23] =	ssyncset.done $0x0  }
0xa4: {  	s25 =	simm.s32 $0x1B8E;
	s24 =	sld [smem:$0x3FFE];
	[sflag:s23] =	ssyncadd.s32 $0xFFFFFFFF  }
0xa5: {  	s26 =	simm.s32 $execute0_lowered;
	[smem:$0x3FD2] =	sst s25  }
0xa6: {  	s5 =	sshll.u32 s26, $0x1;
	_ =	strace $0x80000046;
	[dreg:$0x1] =	wrdreg $0xFFFFFFFF  }
0xa7: {  	s28 =	simm.s32 $_size_execute0_lowered;
	s3 =	sadd.s32 s3, s5;
	[dreg:$0x0] =	wrdreg $0x0  }
0xa8: {  	s5 =	sshll.u32 s28, $0x1;
	[dreg:$0x2] =	wrdreg s3  }
0xa9: {  	[dreg:$0x3] =	wrdreg s5  }
0xaa: {  	[dreg:$0x4] =	wrdreg $0xC0  }
0xab: {  	_ =	task [dreg:s7], $0x5FFFF  }
0xac: {  	[dreg:$0x1] =	wrdreg $0xFFFFFFFF  }
0xad: {  	[dreg:$0x0] =	wrdreg $0x60  }
0xae: {  	[dreg:$0x2] =	wrdreg s24  }
0xaf: {  	[dreg:$0x3] =	wrdreg s2  }
0xb0: {  	[dreg:$0x4] =	wrdreg $0x9  }
0xb1: {  	_ =	task.clear_ibuf [dreg:s7], $0x5FFFF;
	_ =	strace $0x90000046  }
0xb2: {  	s29 =	simm.s32 $0x9;
	_ =	strace $0x80000048  }
0xb3: {  	_ =	swait.ge [sflag:s29], $0x1  }
0xb4: {  	[sflag:s29] =	ssyncadd.s32 $0xFFFFFFFF  }
0xb5: {  	_ =	strace $0x90000048  }
0xb6: {  	_ =	sfence  }
0xb7: {  	s30 =	sld [smem:$0x0];
	_ =	sdelay $0x2  }
0xb8: {  	s31 =	sshll.u32 s1, $0xD;
	s1 =	sshrl.u32 s1, $0x2  }
0xb9: {  	s3 =	sand.u32 $0x4000, s31;
	s1 =	sadd.s32 s1, s30  }
0xba: {  	s0 =	sor.u32 s3, s0;
	s1 =	sshll.u32 s1, $0x11  }
0xbb: {  	s0 =	sor.u32 s1, s0  }
0xbc: {  	s0 =	sadd.s32 $0x8F2B, s0  }
0xbd: {  	[sflag:s0] =	ssyncadd.remote.s32 $0x1  }
0xbe: {  	_ =	sfence.sel $0xFFFF  }
0xbf: {  	[dreg:$0x0] =	wrdreg $0xFFFFFFFF;
	(pc) =	sbr.abs _section_cstart, $3  }
0xc0: {  	[dreg:$0x1] =	wrdreg $0xFFFFFFFF  }
0xc1: {  	_ =	task.clear_ibuf [dreg:s7], $0x2FFFF;
	_ =	strace $0x9FFFFFFF  }
0xc2: {  	(tm) =	ssettm $0x7FFFFFFF  }
0xc3: {  	_ =	shalt  }
tec
execute0_lowered:
.L_overlay_start_1:
0x0: {  	(tag) =	ssettag $0x1  }
0x1: {  	s0 =	rddreg [dreg:$0x0]  }
0x2: {  	s1 =	srdreg.scid;
	s8 =	stileid.u32  }
0x3: {  	s9 =	rddreg [dreg:$0x1];
	s3 =	simm.s32 $0x0;
	s28 =	simm.s32 $0xE400  }
0x4: {  	s12 =	simm.s32 $0x1;
	s1 =	sand.u32 $0x1, s1;
	s2 =	sshll.u32 s8, $0x1  }
0x5: {  	s13 =	simm.s32 $0x2;
	s8 =	smul.u32 $0x190, s8;
	s2 =	sor.u32 s1, s2  }
0x6: {  	s14 =	simm.s32 $0x3;
	s11 =	simm.s32 $0x12;
	s4 =	smul.u32 $0xC80, s2  }
0x7: {  	s31 =	simm.s32 $0x8400;
	[smem:$0x7FF] =	sst s3;
	s5 =	smul.u32 $0x32000, s2  }
0x8: {  	_ =	strace $0x80000047;
	s7 =	ssub.s32 $0x2, s1;
	s1 =	smul.u32 $0xC8, s1  }
0x9: {  	s2 =	smul.u32 $0x190000, s2;
	s6 =	sadd.s32 s4, s0;
	s5 =	sadd.s32 s9, s5  }
0xa: {  	s15 =	sshrl.u32 s7, $0x1;
	s6 =	sadd.s32 $0xA00, s6;
	[dreg:$0x8] =	wrdreg s5  }
0xb: {  	s1 =	sadd.s32 s1, s8;
	s16 =	sadd.s32 $0x400, s5;
	[dreg:$0x9] =	wrdreg s6  }
0xc: {  	s4 =	sadd.s32 $0xF42E00, s0;
	s17 =	sadd.s32 $0x800, s5;
	[dreg:$0xa] =	wrdreg s16  }
0xd: {  	s0 =	ssub.s32 s7, s15;
	s18 =	sadd.s32 $0xC00, s5;
	[dreg:$0xb] =	wrdreg s17  }
0xe: {  	s30 =	sshll.u32 s1, $0xA;
	s5 =	sadd.s32 $0x1000, s5;
	[dreg:$0xc] =	wrdreg s18  }
0xf: {  	s2 =	sshrl.u32 s2, $0x3;
	s21 =	sadd.s32 $0x2000, s30;
	[dreg:$0xd] =	wrdreg s5  }
0x10: {  	s15 =	simm.s32 $0x4;
	s23 =	sor.u32 $0x1800, s30;
	[dreg:$0x3] =	wrdreg s21  }
0x11: {  	s2 =	sadd.s32 s9, s2;
	s25 =	sadd.s32 $0x3800, s30;
	[dreg:$0x4] =	wrdreg s23  }
0x12: {  	s26 =	sadd.s32 $0x3000, s30;
	s0 =	smax.u32 s0, $0x1;
	[dreg:$0x5] =	wrdreg s25  }
0x13: {  	s29 =	sadd.s32 $0x2800, s30;
	s19 =	sadd.s32 $0x30C00, s2;
	[dreg:$0x13] =	wrdreg s0  }
0x14: {  	s20 =	sadd.s32 $0x31000, s2;
	s22 =	sadd.s32 $0x31400, s2;
	[dreg:$0x6] =	wrdreg s26  }
0x15: {  	s24 =	sadd.s32 $0x31800, s2;
	s2 =	sadd.s32 $0x31C00, s2;
	[dreg:$0x7] =	wrdreg s29  }
0x16: {  	s26 =	simm.s32 $0x8400;
	s0 =	simm.s32 $0xA400;
	[dreg:$0xe] =	wrdreg s19  }
0x17: {  	s16 =	simm.s32 $0x5;
	s17 =	simm.s32 $0xA;
	[dreg:$0xf] =	wrdreg s20  }
0x18: {  	s5 =	simm.s32 $0xF;
	s18 =	simm.s32 $0x10;
	[dreg:$0x10] =	wrdreg s22  }
0x19: {  	s21 =	simm.s32 $0x14;
	s6 =	simm.s32 $0x0;
	[dreg:$0x11] =	wrdreg s24  }
0x1a: {  	[dreg:$0x12] =	wrdreg s2;
	s19 =	simm.s32 $0x80;
	s22 =	simm.s32 $0x6400  }
0x1b: {  	s24 =	simm.s32 $0xC400;
	s2 =	simm.s32 $0x11;
	s20 =	simm.s32 $0x13  }
.LBB2_1:
0x1c: {  	[dreg:$0x14] =	wrdreg s6  }
0x1d: {  	s1 =	rddreg [dreg:$0x9];
	s23 =	simm.s32 $0x15  }
0x1e: {  	[tilespmem:s3], [sflag:$0x15] =	stream.linear.gather [hbm4b:s1+s3], $0x6400, $0x38;
	[tilespmem:$0x1A400] =	vst v63  }
0x1f: {  	_ =	swait.ge [sflag:s23], $0x6400  }
0x20: {  	[sflag:s23] =	ssyncset.done $0x0  }
0x21: {  	[sflag:s23] =	ssyncadd.s32 $0xFFFF9C00  }
0x22: {  	[tilespmem:s22], [sflag:$0x1] =	stream.indirect.gather [hbm4b:s4+s19], $0x40, s3, s19, $0xb8;
	[tilespmem:$0x1A400] =	vst v63  }
0x23: {  	_ = 	snop  }
0x24: {  	[tilespmem:s26], [sflag:$0x2] =	stream.indirect.gather [hbm4b:s4+s19], $0x40, s19, s19, $0xb8;
	[tilespmem:$0x1A400] =	vst v63  }
0x25: {  	s25 =	simm.s32 $0x100  }
0x26: {  	[tilespmem:s0], [sflag:$0x3] =	stream.indirect.gather [hbm4b:s4+s19], $0x40, s25, s19, $0xb8;
	[tilespmem:$0x1A400] =	vst v63  }
0x27: {  	s6 =	simm.s32 $0x180  }
0x28: {  	[tilespmem:s24], [sflag:$0x4] =	stream.indirect.gather [hbm4b:s4+s19], $0x40, s6, s19, $0xb8;
	[tilespmem:$0x1A400] =	vst v63  }
0x29: {  	s7 =	simm.s32 $0x200  }
0x2a: {  	[tilespmem:s28], [sflag:$0x5] =	stream.indirect.gather [hbm4b:s4+s19], $0x40, s7, s19, $0xb8;
	[tilespmem:$0x1A400] =	vst v63  }
0x2b: {  	s8 =	simm.s32 $0x280;
	s6 =	simm.s32 $0x10400  }
0x2c: {  	[tilespmem:s6], [sflag:$0x6] =	stream.indirect.gather [hbm4b:s4+s19], $0x40, s8, s19, $0xb8;
	[tilespmem:$0x1A400] =	vst v63  }
0x2d: {  	s9 =	simm.s32 $0x300;
	s7 =	simm.s32 $0x12400  }
0x2e: {  	[tilespmem:s7], [sflag:$0x7] =	stream.indirect.gather [hbm4b:s4+s19], $0x40, s9, s19, $0xb8;
	[tilespmem:$0x1A400] =	vst v63  }
0x2f: {  	s10 =	simm.s32 $0x380;
	s8 =	simm.s32 $0x14400  }
0x30: {  	[tilespmem:s8], [sflag:$0x8] =	stream.indirect.gather [hbm4b:s4+s19], $0x40, s10, s19, $0xb8;
	[tilespmem:$0x1A400] =	vst v63  }
0x31: {  	s23 =	simm.s32 $0x400;
	s9 =	simm.s32 $0x16400  }
0x32: {  	[tilespmem:s9], [sflag:$0x9] =	stream.indirect.gather [hbm4b:s4+s19], $0x40, s23, s19, $0xb8;
	[tilespmem:$0x1A400] =	vst v63  }
0x33: {  	s25 =	simm.s32 $0x480;
	s10 =	simm.s32 $0x18400  }
0x34: {  	[tilespmem:s10], [sflag:$0xA] =	stream.indirect.gather [hbm4b:s4+s19], $0x40, s25, s19, $0xb8;
	[tilespmem:$0x1A400] =	vst v63  }
0x35: {  	_ =	swait.ge [sflag:s12], $0x2000  }
0x36: {  	[sflag:s12] =	ssyncset.done $0x0  }
0x37: {  	s23 =	rddreg [dreg:$0x8];
	[sflag:s12] =	ssyncadd.s32 $0xFFFFE000  }
0x38: {  	[hbm4b:s23+s3] =	stream.linear.scatter [tilespmem:s22], [sflag:$0xB], $0x2000, $0x38;
	[tilespmem:$0x1A400] =	vst v63  }
0x39: {  	_ =	swait.ge [sflag:s13], $0x2000  }
0x3a: {  	[sflag:s13] =	ssyncset.done $0x0  }
0x3b: {  	s25 =	rddreg [dreg:$0xa];
	[sflag:s13] =	ssyncadd.s32 $0xFFFFE000  }
0x3c: {  	[hbm4b:s25+s3] =	stream.linear.scatter [tilespmem:s26], [sflag:$0xC], $0x2000, $0x38;
	[tilespmem:$0x1A400] =	vst v63  }
0x3d: {  	_ =	swait.ge [sflag:s14], $0x2000  }
0x3e: {  	[sflag:s14] =	ssyncset.done $0x0  }
0x3f: {  	s23 =	rddreg [dreg:$0xb];
	[sflag:s14] =	ssyncadd.s32 $0xFFFFE000  }
0x40: {  	[hbm4b:s23+s3] =	stream.linear.scatter [tilespmem:s0], [sflag:$0xD], $0x2000, $0x38;
	[tilespmem:$0x1A400] =	vst v63  }
0x41: {  	_ =	swait.ge [sflag:s15], $0x2000  }
0x42: {  	[sflag:s15] =	ssyncset.done $0x0  }
0x43: {  	s25 =	rddreg [dreg:$0xc];
	[sflag:s15] =	ssyncadd.s32 $0xFFFFE000  }
0x44: {  	[hbm4b:s25+s3] =	stream.linear.scatter [tilespmem:s24], [sflag:$0xE], $0x2000, $0x38;
	[tilespmem:$0x1A400] =	vst v63  }
0x45: {  	_ =	swait.ge [sflag:s16], $0x2000  }
0x46: {  	[sflag:s16] =	ssyncset.done $0x0  }
0x47: {  	s25 =	simm.s32 $0x6;
	s23 =	rddreg [dreg:$0xd];
	[sflag:s16] =	ssyncadd.s32 $0xFFFFE000  }
0x48: {  	[hbm4b:s23+s3] =	stream.linear.scatter [tilespmem:s28], [sflag:$0xF], $0x2000, $0x38;
	[tilespmem:$0x1A400] =	vst v63  }
0x49: {  	_ =	swait.ge [sflag:s25], $0x2000  }
0x4a: {  	[sflag:s25] =	ssyncset.done $0x0  }
0x4b: {  	s1 =	rddreg [dreg:$0x1]  }
0x4c: {  	s23 =	sadd.s32 s1, s30  }
0x4d: {  	[sflag:s25] =	ssyncadd.s32 $0xFFFFE000;
	s25 =	sadd.s32 $0x1400, s23  }
0x4e: {  	[hbm4b:s25+s3] =	stream.linear.scatter [tilespmem:s6], [sflag:$0x10], $0x2000, $0x38;
	[tilespmem:$0x1A400] =	vst v63  }
0x4f: {  	s25 =	simm.s32 $0xB  }
0x50: {  	_ =	swait.ge [sflag:s25], $0x2000  }
0x51: {  	[sflag:s25] =	ssyncset.done $0x0  }
0x52: {  	s29 =	simm.s32 $0x7;
	[sflag:s25] =	ssyncadd.s32 $0xFFFFE000;
	s25 =	simm.s32 $0x500  }
0x53: {  	[tilespmem:s22], [sflag:$0x1] =	stream.indirect.gather [hbm4b:s4+s19], $0x40, s25, s19, $0xb8;
	[tilespmem:$0x1A400] =	vst v63  }
0x54: {  	_ =	swait.ge [sflag:s29], $0x2000  }
0x55: {  	s25 =	rddreg [dreg:$0x4];
	[sflag:s29] =	ssyncset.done $0x0  }
0x56: {  	[sflag:s29] =	ssyncadd.s32 $0xFFFFE000;
	s25 =	sadd.s32 s1, s25  }
0x57: {  	[hbm4b:s25+s3] =	stream.linear.scatter [tilespmem:s7], [sflag:$0x11], $0x2000, $0x38;
	[tilespmem:$0x1A400] =	vst v63  }
0x58: {  	s25 =	simm.s32 $0xC  }
0x59: {  	_ =	swait.ge [sflag:s25], $0x2000  }
0x5a: {  	[sflag:s25] =	ssyncset.done $0x0  }
0x5b: {  	[sflag:s25] =	ssyncadd.s32 $0xFFFFE000;
	s25 =	simm.s32 $0x580  }
0x5c: {  	[tilespmem:s26], [sflag:$0x2] =	stream.indirect.gather [hbm4b:s4+s19], $0x40, s25, s19, $0xb8;
	[tilespmem:$0x1A400] =	vst v63  }
0x5d: {  	s25 =	simm.s32 $0x8  }
0x5e: {  	_ =	swait.ge [sflag:s25], $0x2000  }
0x5f: {  	[sflag:s25] =	ssyncset.done $0x0  }
0x60: {  	s23 =	sadd.s32 $0x1C00, s23;
	[sflag:s25] =	ssyncadd.s32 $0xFFFFE000;
	s25 =	simm.s32 $0xD  }
0x61: {  	[hbm4b:s23+s3] =	stream.linear.scatter [tilespmem:s8], [sflag:$0x12], $0x2000, $0x38;
	[tilespmem:$0x1A400] =	vst v63  }
0x62: {  	_ =	swait.ge [sflag:s25], $0x2000  }
0x63: {  	[sflag:s25] =	ssyncset.done $0x0  }
0x64: {  	[sflag:s25] =	ssyncadd.s32 $0xFFFFE000;
	s25 =	simm.s32 $0x600  }
0x65: {  	[tilespmem:s0], [sflag:$0x3] =	stream.indirect.gather [hbm4b:s4+s19], $0x40, s25, s19, $0xb8;
	[tilespmem:$0x1A400] =	vst v63  }
0x66: {  	s25 =	simm.s32 $0x9  }
0x67: {  	_ =	swait.ge [sflag:s25], $0x2000  }
0x68: {  	s23 =	rddreg [dreg:$0x3];
	[sflag:s25] =	ssyncset.done $0x0  }
0x69: {  	[sflag:s25] =	ssyncadd.s32 $0xFFFFE000;
	s23 =	sadd.s32 s1, s23;
	s25 =	simm.s32 $0xE  }
0x6a: {  	[hbm4b:s23+s3] =	stream.linear.scatter [tilespmem:s9], [sflag:$0x13], $0x2000, $0x38;
	[tilespmem:$0x1A400] =	vst v63  }
0x6b: {  	_ =	swait.ge [sflag:s25], $0x2000  }
0x6c: {  	[sflag:s25] =	ssyncset.done $0x0  }
0x6d: {  	[sflag:s25] =	ssyncadd.s32 $0xFFFFE000;
	s25 =	simm.s32 $0x680  }
0x6e: {  	[tilespmem:s24], [sflag:$0x4] =	stream.indirect.gather [hbm4b:s4+s19], $0x40, s25, s19, $0xb8;
	[tilespmem:$0x1A400] =	vst v63  }
0x6f: {  	_ =	swait.ge [sflag:s17], $0x2000  }
0x70: {  	[sflag:s17] =	ssyncset.done $0x0  }
0x71: {  	s25 =	sadd.s32 $0x400, s23;
	[sflag:s17] =	ssyncadd.s32 $0xFFFFE000  }
0x72: {  	[hbm4b:s25+s3] =	stream.linear.scatter [tilespmem:s10], [sflag:$0x14], $0x2000, $0x38;
	[tilespmem:$0x1A400] =	vst v63  }
0x73: {  	_ =	swait.ge [sflag:s5], $0x2000  }
0x74: {  	[sflag:s5] =	ssyncset.done $0x0  }
0x75: {  	s10 =	simm.s32 $0x700;
	[sflag:s5] =	ssyncadd.s32 $0xFFFFE000  }
0x76: {  	[tilespmem:s28], [sflag:$0x5] =	stream.indirect.gather [hbm4b:s4+s19], $0x40, s10, s19, $0xb8;
	[tilespmem:$0x1A400] =	vst v63  }
0x77: {  	_ =	swait.ge [sflag:s12], $0x2000  }
0x78: {  	s10 =	rddreg [dreg:$0x7];
	[sflag:s12] =	ssyncset.done $0x0  }
0x79: {  	[sflag:s12] =	ssyncadd.s32 $0xFFFFE000;
	s25 =	sadd.s32 s1, s10  }
0x7a: {  	[hbm4b:s25+s3] =	stream.linear.scatter [tilespmem:s22], [sflag:$0xB], $0x2000, $0x38;
	[tilespmem:$0x1A400] =	vst v63  }
0x7b: {  	_ =	swait.ge [sflag:s18], $0x2000  }
0x7c: {  	[sflag:s18] =	ssyncset.done $0x0  }
0x7d: {  	s22 =	simm.s32 $0x780;
	[sflag:s18] =	ssyncadd.s32 $0xFFFFE000  }
0x7e: {  	[tilespmem:s6], [sflag:$0x6] =	stream.indirect.gather [hbm4b:s4+s19], $0x40, s22, s19, $0xb8;
	[tilespmem:$0x1A400] =	vst v63  }
0x7f: {  	_ =	swait.ge [sflag:s13], $0x2000  }
0x80: {  	[sflag:s13] =	ssyncset.done $0x0  }
0x81: {  	s10 =	sadd.s32 $0xC00, s23;
	[sflag:s13] =	ssyncadd.s32 $0xFFFFE000  }
0x82: {  	[hbm4b:s10+s3] =	stream.linear.scatter [tilespmem:s26], [sflag:$0xC], $0x2000, $0x38;
	[tilespmem:$0x1A400] =	vst v63  }
0x83: {  	_ =	swait.ge [sflag:s2], $0x2000  }
0x84: {  	[sflag:s2] =	ssyncset.done $0x0  }
0x85: {  	s12 =	simm.s32 $0x800;
	[sflag:s2] =	ssyncadd.s32 $0xFFFFE000  }
0x86: {  	[tilespmem:s7], [sflag:$0x7] =	stream.indirect.gather [hbm4b:s4+s19], $0x40, s12, s19, $0xb8;
	[tilespmem:$0x1A400] =	vst v63  }
0x87: {  	_ =	swait.ge [sflag:s14], $0x2000  }
0x88: {  	s13 =	rddreg [dreg:$0x6];
	[sflag:s14] =	ssyncset.done $0x0  }
0x89: {  	[sflag:s14] =	ssyncadd.s32 $0xFFFFE000;
	s25 =	sadd.s32 s1, s13  }
0x8a: {  	[hbm4b:s25+s3] =	stream.linear.scatter [tilespmem:s0], [sflag:$0xD], $0x2000, $0x38;
	[tilespmem:$0x1A400] =	vst v63  }
0x8b: {  	_ =	swait.ge [sflag:s11], $0x2000  }
0x8c: {  	[sflag:s11] =	ssyncset.done $0x0  }
0x8d: {  	s22 =	simm.s32 $0x880;
	[sflag:s11] =	ssyncadd.s32 $0xFFFFE000  }
0x8e: {  	[tilespmem:s8], [sflag:$0x8] =	stream.indirect.gather [hbm4b:s4+s19], $0x40, s22, s19, $0xb8;
	[tilespmem:$0x1A400] =	vst v63  }
0x8f: {  	_ =	swait.ge [sflag:s15], $0x2000  }
0x90: {  	[sflag:s15] =	ssyncset.done $0x0  }
0x91: {  	s23 =	sadd.s32 $0x1400, s23;
	[sflag:s15] =	ssyncadd.s32 $0xFFFFE000  }
0x92: {  	[hbm4b:s23+s3] =	stream.linear.scatter [tilespmem:s24], [sflag:$0xE], $0x2000, $0x38;
	[tilespmem:$0x1A400] =	vst v63  }
0x93: {  	_ =	swait.ge [sflag:s20], $0x2000  }
0x94: {  	s29 =	simm.s32 $0xE400;
	[sflag:s20] =	ssyncset.done $0x0  }
0x95: {  	s12 =	simm.s32 $0x1;
	s25 =	simm.s32 $0x900;
	[sflag:s20] =	ssyncadd.s32 $0xFFFFE000  }
0x96: {  	[tilespmem:s9], [sflag:$0x9] =	stream.indirect.gather [hbm4b:s4+s19], $0x40, s25, s19, $0xb8;
	[tilespmem:$0x1A400] =	vst v63  }
0x97: {  	s13 =	simm.s32 $0x2;
	s14 =	simm.s32 $0x3;
	_ =	swait.ge [sflag:s16], $0x2000  }
0x98: {  	s0 =	simm.s32 $0xA400;
	s26 =	rddreg [dreg:$0x5];
	[sflag:s16] =	ssyncset.done $0x0  }
0x99: {  	s15 =	simm.s32 $0x4;
	[sflag:s16] =	ssyncadd.s32 $0xFFFFE000;
	s23 =	sadd.s32 s1, s26  }
0x9a: {  	[hbm4b:s23+s3] =	stream.linear.scatter [tilespmem:s28], [sflag:$0xF], $0x2000, $0x38;
	[tilespmem:$0x1A400] =	vst v63  }
0x9b: {  	s24 =	simm.s32 $0xC400;
	s25 =	sadd.s32 $0x2800, s1;
	_ =	swait.ge [sflag:s21], $0x2000  }
0x9c: {  	s16 =	simm.s32 $0x5;
	s26 =	simm.s32 $0x6400;
	[sflag:s21] =	ssyncset.done $0x0  }
0x9d: {  	s23 =	simm.s32 $0x1400;
	s28 =	simm.s32 $0x980;
	[sflag:s21] =	ssyncadd.s32 $0xFFFFE000  }
.LBB2_2:
0x9e: {  	s7 =	simm.s32 $0x18400;
	s1 =	simm.s32 $0x6  }
0x9f: {  	[tilespmem:s7], [sflag:$0xA] =	stream.indirect.gather [hbm4b:s4+s19], $0x40, s28, s19, $0xb8;
	[tilespmem:$0x1A400] =	vst v63  }
0xa0: {  	s22 =	smov.u32 s30;
	_ =	swait.ge [sflag:s1], $0x2000  }
0xa1: {  	s30 =	sadd.s32 s25, s30;
	s6 =	simm.s32 $0x10400;
	[sflag:s1] =	ssyncset.done $0x0  }
0xa2: {  	s8 =	simm.s32 $0xB;
	s10 =	sadd.s32 $0x1400, s30;
	[sflag:s1] =	ssyncadd.s32 $0xFFFFE000  }
0xa3: {  	[hbm4b:s10+s3] =	stream.linear.scatter [tilespmem:s6], [sflag:$0x10], $0x2000, $0x38;
	[tilespmem:$0x1A400] =	vst v63  }
0xa4: {  	s28 =	smov.u32 s23;
	_ =	swait.ge [sflag:s8], $0x2000  }
0xa5: {  	s28 =	sshra.s32 s28, $0x2;
	[sflag:s8] =	ssyncset.done $0x0  }
0xa6: {  	s9 =	sadd.s32 $0x500, s28;
	[sflag:s8] =	ssyncadd.s32 $0xFFFFE000;
	s8 =	simm.s32 $0x7  }
0xa7: {  	[tilespmem:s26], [sflag:$0x1] =	stream.indirect.gather [hbm4b:s4+s19], $0x40, s9, s19, $0xb8;
	[tilespmem:$0x1A400] =	vst v63  }
0xa8: {  	_ =	swait.ge [sflag:s8], $0x2000  }
0xa9: {  	s9 =	simm.s32 $0xC;
	s10 =	rddreg [dreg:$0x4];
	[sflag:s8] =	ssyncset.done $0x0  }
0xaa: {  	[sflag:s8] =	ssyncadd.s32 $0xFFFFE000;
	s1 =	sadd.s32 s25, s10;
	s8 =	simm.s32 $0x12400  }
0xab: {  	[hbm4b:s1+s3] =	stream.linear.scatter [tilespmem:s8], [sflag:$0x11], $0x2000, $0x38;
	[tilespmem:$0x1A400] =	vst v63  }
0xac: {  	_ =	swait.ge [sflag:s9], $0x2000  }
0xad: {  	[sflag:s9] =	ssyncset.done $0x0  }
0xae: {  	s10 =	sadd.s32 $0x580, s28;
	[sflag:s9] =	ssyncadd.s32 $0xFFFFE000;
	s9 =	simm.s32 $0x8  }
0xaf: {  	[tilespmem:s31], [sflag:$0x2] =	stream.indirect.gather [hbm4b:s4+s19], $0x40, s10, s19, $0xb8;
	[tilespmem:$0x1A400] =	vst v63  }
0xb0: {  	_ =	swait.ge [sflag:s9], $0x2000  }
0xb1: {  	[sflag:s9] =	ssyncset.done $0x0  }
0xb2: {  	s10 =	sadd.s32 $0x1C00, s30;
	[sflag:s9] =	ssyncadd.s32 $0xFFFFE000;
	s9 =	simm.s32 $0x14400  }
0xb3: {  	[hbm4b:s10+s3] =	stream.linear.scatter [tilespmem:s9], [sflag:$0x12], $0x2000, $0x38;
	[tilespmem:$0x1A400] =	vst v63  }
0xb4: {  	s10 =	simm.s32 $0xD  }
0xb5: {  	_ =	swait.ge [sflag:s10], $0x2000  }
0xb6: {  	[sflag:s10] =	ssyncset.done $0x0  }
0xb7: {  	[sflag:s10] =	ssyncadd.s32 $0xFFFFE000;
	s10 =	sadd.s32 $0x600, s28  }
0xb8: {  	[tilespmem:s0], [sflag:$0x3] =	stream.indirect.gather [hbm4b:s4+s19], $0x40, s10, s19, $0xb8;
	[tilespmem:$0x1A400] =	vst v63  }
0xb9: {  	s10 =	simm.s32 $0x9  }
0xba: {  	_ =	swait.ge [sflag:s10], $0x2000  }
0xbb: {  	[sflag:s10] =	ssyncset.done $0x0  }
0xbc: {  	s1 =	rddreg [dreg:$0x3];
	[sflag:s10] =	ssyncadd.s32 $0xFFFFE000  }
0xbd: {  	s30 =	sadd.s32 s25, s1;
	s10 =	simm.s32 $0x16400;
	s1 =	simm.s32 $0xE  }
0xbe: {  	[hbm4b:s30+s3] =	stream.linear.scatter [tilespmem:s10], [sflag:$0x13], $0x2000, $0x38;
	[tilespmem:$0x1A400] =	vst v63  }
0xbf: {  	_ =	swait.ge [sflag:s1], $0x2000  }
0xc0: {  	[sflag:s1] =	ssyncset.done $0x0  }
0xc1: {  	[sflag:s1] =	ssyncadd.s32 $0xFFFFE000;
	s1 =	sadd.s32 $0x680, s28  }
0xc2: {  	[tilespmem:s24], [sflag:$0x4] =	stream.indirect.gather [hbm4b:s4+s19], $0x40, s1, s19, $0xb8;
	[tilespmem:$0x1A400] =	vst v63  }
0xc3: {  	_ =	swait.ge [sflag:s17], $0x2000  }
0xc4: {  	[sflag:s17] =	ssyncset.done $0x0  }
0xc5: {  	s1 =	sadd.s32 $0x400, s30;
	[sflag:s17] =	ssyncadd.s32 $0xFFFFE000  }
0xc6: {  	[hbm4b:s1+s3] =	stream.linear.scatter [tilespmem:s7], [sflag:$0x14], $0x2000, $0x38;
	[tilespmem:$0x1A400] =	vst v63  }
0xc7: {  	_ =	swait.ge [sflag:s5], $0x2000  }
0xc8: {  	[sflag:s5] =	ssyncset.done $0x0  }
0xc9: {  	s7 =	sadd.s32 $0x700, s28;
	[sflag:s5] =	ssyncadd.s32 $0xFFFFE000  }
0xca: {  	[tilespmem:s29], [sflag:$0x5] =	stream.indirect.gather [hbm4b:s4+s19], $0x40, s7, s19, $0xb8;
	[tilespmem:$0x1A400] =	vst v63  }
0xcb: {  	_ =	swait.ge [sflag:s12], $0x2000  }
0xcc: {  	s7 =	rddreg [dreg:$0x7];
	[sflag:s12] =	ssyncset.done $0x0  }
0xcd: {  	[sflag:s12] =	ssyncadd.s32 $0xFFFFE000;
	s1 =	sadd.s32 s25, s7  }
0xce: {  	[hbm4b:s1+s3] =	stream.linear.scatter [tilespmem:s26], [sflag:$0xB], $0x2000, $0x38;
	[tilespmem:$0x1A400] =	vst v63  }
0xcf: {  	_ =	swait.ge [sflag:s18], $0x2000  }
0xd0: {  	[sflag:s18] =	ssyncset.done $0x0  }
0xd1: {  	s1 =	sadd.s32 $0x780, s28;
	[sflag:s18] =	ssyncadd.s32 $0xFFFFE000  }
0xd2: {  	[tilespmem:s6], [sflag:$0x6] =	stream.indirect.gather [hbm4b:s4+s19], $0x40, s1, s19, $0xb8;
	[tilespmem:$0x1A400] =	vst v63  }
0xd3: {  	_ =	swait.ge [sflag:s13], $0x2000  }
0xd4: {  	[sflag:s13] =	ssyncset.done $0x0  }
0xd5: {  	s6 =	sadd.s32 $0xC00, s30;
	[sflag:s13] =	ssyncadd.s32 $0xFFFFE000  }
0xd6: {  	[hbm4b:s6+s3] =	stream.linear.scatter [tilespmem:s31], [sflag:$0xC], $0x2000, $0x38;
	[tilespmem:$0x1A400] =	vst v63  }
0xd7: {  	_ =	swait.ge [sflag:s2], $0x2000  }
0xd8: {  	[sflag:s2] =	ssyncset.done $0x0  }
0xd9: {  	s1 =	sadd.s32 $0x800, s28;
	[sflag:s2] =	ssyncadd.s32 $0xFFFFE000  }
0xda: {  	[tilespmem:s8], [sflag:$0x7] =	stream.indirect.gather [hbm4b:s4+s19], $0x40, s1, s19, $0xb8;
	[tilespmem:$0x1A400] =	vst v63  }
0xdb: {  	_ =	swait.ge [sflag:s14], $0x2000  }
0xdc: {  	s8 =	rddreg [dreg:$0x6];
	[sflag:s14] =	ssyncset.done $0x0  }
0xdd: {  	[sflag:s14] =	ssyncadd.s32 $0xFFFFE000;
	s1 =	sadd.s32 s25, s8  }
0xde: {  	[hbm4b:s1+s3] =	stream.linear.scatter [tilespmem:s0], [sflag:$0xD], $0x2000, $0x38;
	[tilespmem:$0x1A400] =	vst v63  }
0xdf: {  	_ =	swait.ge [sflag:s11], $0x2000  }
0xe0: {  	[sflag:s11] =	ssyncset.done $0x0  }
0xe1: {  	s1 =	sadd.s32 $0x880, s28;
	[sflag:s11] =	ssyncadd.s32 $0xFFFFE000  }
0xe2: {  	[tilespmem:s9], [sflag:$0x8] =	stream.indirect.gather [hbm4b:s4+s19], $0x40, s1, s19, $0xb8;
	[tilespmem:$0x1A400] =	vst v63  }
0xe3: {  	_ =	swait.ge [sflag:s15], $0x2000  }
0xe4: {  	[sflag:s15] =	ssyncset.done $0x0  }
0xe5: {  	s9 =	sadd.s32 $0x1400, s30;
	[sflag:s15] =	ssyncadd.s32 $0xFFFFE000  }
0xe6: {  	[hbm4b:s9+s3] =	stream.linear.scatter [tilespmem:s24], [sflag:$0xE], $0x2000, $0x38;
	[tilespmem:$0x1A400] =	vst v63  }
0xe7: {  	_ =	swait.ge [sflag:s20], $0x2000  }
0xe8: {  	[sflag:s20] =	ssyncset.done $0x0  }
0xe9: {  	s30 =	smov.u32 s22;
	s22 =	sadd.s32 $0x900, s28;
	[sflag:s20] =	ssyncadd.s32 $0xFFFFE000  }
0xea: {  	[tilespmem:s10], [sflag:$0x9] =	stream.indirect.gather [hbm4b:s4+s19], $0x40, s22, s19, $0xb8;
	[tilespmem:$0x1A400] =	vst v63  }
0xeb: {  	p0 =	sne.s32 s23, $0x16800;
	_ =	swait.ge [sflag:s16], $0x2000  }
0xec: {  	s23 =	sadd.s32 $0x1400, s23;
	s22 =	rddreg [dreg:$0x5];
	[sflag:s16] =	ssyncset.done $0x0  }
.Ltmp0:
0xed: {  	[sflag:s16] =	ssyncadd.s32 $0xFFFFE000;
	s1 =	sadd.s32 s25, s22;
	(pc) =	sbr.rel @p0 .LBB2_2-.Ltmp0, $4  }
0xee: {  	[hbm4b:s1+s3] =	stream.linear.scatter [tilespmem:s29], [sflag:$0xF], $0x2000, $0x38;
	[tilespmem:$0x1A400] =	vst v63  }
0xef: {  	s7 =	simm.s32 $0x10400;
	s6 =	simm.s32 $0x12400;
	_ =	swait.ge [sflag:s21], $0x2000  }
0xf0: {  	s8 =	simm.s32 $0x14400;
	s28 =	sadd.s32 $0x980, s28;
	[sflag:s21] =	ssyncset.done $0x0  }
0xf1: {  	s9 =	simm.s32 $0x16400;
	s25 =	sadd.s32 $0x2800, s25;
	[sflag:s21] =	ssyncadd.s32 $0xFFFFE000  }
0xf2: {  	s0 =	simm.s32 $0x18400;
	s1 =	simm.s32 $0x6  }
0xf3: {  	[tilespmem:s0], [sflag:$0xA] =	stream.indirect.gather [hbm4b:s4+s19], $0x40, s28, s19, $0xb8;
	[tilespmem:$0x1A400] =	vst v63  }
0xf4: {  	_ =	swait.ge [sflag:s1], $0x2000  }
0xf5: {  	[sflag:s1] =	ssyncset.done $0x0  }
0xf6: {  	s29 =	rddreg [dreg:$0xe];
	[sflag:s1] =	ssyncadd.s32 $0xFFFFE000  }
0xf7: {  	[hbm4b:s29+s3] =	stream.linear.scatter [tilespmem:s7], [sflag:$0x10], $0x2000, $0x38;
	[tilespmem:$0x1A400] =	vst v63  }
0xf8: {  	s7 =	simm.s32 $0x7  }
0xf9: {  	_ =	swait.ge [sflag:s7], $0x2000  }
0xfa: {  	[sflag:s7] =	ssyncset.done $0x0  }
0xfb: {  	s12 =	simm.s32 $0x8;
	s10 =	rddreg [dreg:$0xf];
	[sflag:s7] =	ssyncadd.s32 $0xFFFFE000  }
0xfc: {  	[hbm4b:s10+s3] =	stream.linear.scatter [tilespmem:s6], [sflag:$0x11], $0x2000, $0x38;
	[tilespmem:$0x1A400] =	vst v63  }
0xfd: {  	_ =	swait.ge [sflag:s12], $0x2000  }
0xfe: {  	[sflag:s12] =	ssyncset.done $0x0  }
0xff: {  	s14 =	simm.s32 $0x9;
	s13 =	rddreg [dreg:$0x10];
	[sflag:s12] =	ssyncadd.s32 $0xFFFFE000  }
0x100: {  	[hbm4b:s13+s3] =	stream.linear.scatter [tilespmem:s8], [sflag:$0x12], $0x2000, $0x38;
	[tilespmem:$0x1A400] =	vst v63  }
0x101: {  	_ =	swait.ge [sflag:s14], $0x2000  }
0x102: {  	[sflag:s14] =	ssyncset.done $0x0  }
0x103: {  	s15 =	rddreg [dreg:$0x11];
	[sflag:s14] =	ssyncadd.s32 $0xFFFFE000  }
0x104: {  	[hbm4b:s15+s3] =	stream.linear.scatter [tilespmem:s9], [sflag:$0x13], $0x2000, $0x38;
	[tilespmem:$0x1A400] =	vst v63  }
0x105: {  	_ =	swait.ge [sflag:s17], $0x2000  }
0x106: {  	[sflag:s17] =	ssyncset.done $0x0  }
0x107: {  	s22 =	simm.s32 $0xB;
	s16 =	rddreg [dreg:$0x12];
	[sflag:s17] =	ssyncadd.s32 $0xFFFFE000  }
0x108: {  	[hbm4b:s16+s3] =	stream.linear.scatter [tilespmem:s0], [sflag:$0x14], $0x2000, $0x38;
	[tilespmem:$0x1A400] =	vst v63  }
0x109: {  	_ =	swait.ge [sflag:s22], $0x2000  }
0x10a: {  	[sflag:s22] =	ssyncset.done $0x0  }
0x10b: {  	s23 =	simm.s32 $0xC;
	[sflag:s22] =	ssyncadd.s32 $0xFFFFE000  }
0x10c: {  	_ =	swait.ge [sflag:s23], $0x2000  }
0x10d: {  	[sflag:s23] =	ssyncset.done $0x0  }
0x10e: {  	s24 =	simm.s32 $0xD;
	[sflag:s23] =	ssyncadd.s32 $0xFFFFE000  }
0x10f: {  	_ =	swait.ge [sflag:s24], $0x2000  }
0x110: {  	[sflag:s24] =	ssyncset.done $0x0  }
0x111: {  	s25 =	simm.s32 $0xE;
	[sflag:s24] =	ssyncadd.s32 $0xFFFFE000  }
0x112: {  	_ =	swait.ge [sflag:s25], $0x2000  }
0x113: {  	[sflag:s25] =	ssyncset.done $0x0  }
0x114: {  	[sflag:s25] =	ssyncadd.s32 $0xFFFFE000  }
0x115: {  	_ =	swait.ge [sflag:s5], $0x2000  }
0x116: {  	[sflag:s5] =	ssyncset.done $0x0  }
0x117: {  	[sflag:s5] =	ssyncadd.s32 $0xFFFFE000  }
0x118: {  	_ =	swait.ge [sflag:s18], $0x2000  }
0x119: {  	[sflag:s18] =	ssyncset.done $0x0  }
0x11a: {  	[sflag:s18] =	ssyncadd.s32 $0xFFFFE000  }
0x11b: {  	_ =	swait.ge [sflag:s2], $0x2000  }
0x11c: {  	[sflag:s2] =	ssyncset.done $0x0  }
0x11d: {  	[sflag:s2] =	ssyncadd.s32 $0xFFFFE000  }
0x11e: {  	_ =	swait.ge [sflag:s11], $0x2000  }
0x11f: {  	[sflag:s11] =	ssyncset.done $0x0  }
0x120: {  	[sflag:s11] =	ssyncadd.s32 $0xFFFFE000  }
0x121: {  	_ =	swait.ge [sflag:s20], $0x2000  }
0x122: {  	[sflag:s20] =	ssyncset.done $0x0  }
0x123: {  	[sflag:s20] =	ssyncadd.s32 $0xFFFFE000  }
0x124: {  	_ =	swait.ge [sflag:s21], $0x2000  }
0x125: {  	s26 =	rddreg [dreg:$0x14]  }
0x126: {  	s29 =	rddreg [dreg:$0x13];
	s6 =	sadd.s32 $0x1, s26  }
0x127: {  	p0 =	sne.s32 s6, s29  }
.Ltmp1:
0x128: {  	_ = 	snop;
	(pc) =	sbr.rel @p0 .LBB2_1-.Ltmp1, $4  }
0x129: {  	s28 =	simm.s32 $0xE400;
	s12 =	simm.s32 $0x1;
	s13 =	simm.s32 $0x2  }
0x12a: {  	s14 =	simm.s32 $0x3;
	s15 =	simm.s32 $0x4;
	s0 =	simm.s32 $0xA400  }
0x12b: {  	s16 =	simm.s32 $0x5;
	s22 =	simm.s32 $0x6400;
	[sflag:s21] =	ssyncset.done $0x0  }
0x12c: {  	s24 =	simm.s32 $0xC400;
	[sflag:s21] =	ssyncadd.s32 $0xFFFFE000;
	s26 =	simm.s32 $0x8400  }
0x12d: {  	_ =	sfence.sel $0x180000  }
0x12e: {  	[bflag:$0x0] =	sbarrier.arrive $0xFFFF  }
0x12f: {  	_ =	strace $0x90000047  }
0x130: {  	s0 =	stileid.u32;
	[bflag:$0x2] =	sbarrier.arrive $0xFFFF  }
0x131: {  	p0 =	sne.s32 s0, $0x0;
	s0 =	rddreg [dreg:$0x2]  }
0x132: {  	s0 =	sadd.s32 @!p0 $0x100000, s0  }
0x133: {  	[sflag:s0] =	ssyncadd.tile.s32 @!p0 $0x1;
	_ =	shalt  }
.Lfunc_end2:
_tile_overlayer_lowered:
.L_overlay_start_2:
0x134: {  	(tag) =	ssettag $0x2  }
0x135: {  	s0 =	rddreg [dreg:$0x0];
	s2 =	stileid.u32  }
0x136: {  	s1 =	rddreg [dreg:$0x1];
	p0 =	sne.s32 s2, $0x0  }
0x137: {  	s3 =	rddreg [dreg:$0x2];
	[bflag:$0x3] =	sbarrier.arrive $0xFFFF;
	s2 =	simm.s32 @!p0 $0x1C15  }
0x138: {  	[timem:s3], [sflag:s2] =	dma.local @!p0 [hbm:s0], s1  }
0x139: {  	s0 =	simm.s32 @!p0 $0x15  }
0x13a: {  	_ =	swait.ge @!p0 [sflag:s0], s1  }
0x13b: {  	s1 =	ssub.s32 @!p0 $0x0, s1;
	[sflag:s0] =	ssyncset.done @!p0 $0x0  }
0x13c: {  	[sflag:s0] =	ssyncadd.s32 @!p0 s1  }
0x13d: {  	[bflag:$0x3] =	sbarrier.arrive $0xFFFF  }
0x13e: {  	_ =	shalt  }

// kernel: sparse-core-data-format-call.cloned.1.call-start
scs
called_computation_lowered:
.L_overlay_start_0:
0x0: {  	s2 =	sld [smem:$0x3FD9]  }
0x1: {  	s3 =	sld [smem:$0x3FFE];
	_ =	sdelay $0x1  }
0x2: {  	s1 =	srdreg.scid  }
0x3: {  	s0 =	sand.u32 $0x1, s1  }
0x4: {  	s18 =	sshll.u32 s0, $0xA;
	s2 =	sadd.s32 s3, s2  }
0x5: {  	s2 =	sadd.s32 s2, s18  }
0x6: {  	[smem:$0x3FC6] =	sst s2  }
0x7: {  	_ = 	snop  }
0x8: {  	s2 =	sld [smem:$0x3FD0];
	(tm) =	ssettm $0x1  }
0x9: {  	s19 =	sld [smem:$0x3FFB];
	_ =	sdelay $0x3  }
0xa: {  	_ =	strace s19  }
0xb: {  	s3 =	sld [smem:$0x3FFC];
	_ =	sdelay $0x3  }
0xc: {  	_ =	strace s3  }
0xd: {  	s3 =	sld [smem:$0x3FFD];
	_ =	sdelay $0x3  }
0xe: {  	_ =	strace s3  }
0xf: {  	_ =	strace $0x8FFFFFFF  }
0x10: {  	s20 =	sld [smem:$0x3FDB];
	_ =	sdelay $0x1  }
0x11: {  	s4 =	simm.s32 $_scs_section_size  }
0x12: {  	s5 =	simm.s32 $_size__tile_overlayer_lowered;
	s6 =	simm.s32 $_tile_overlayer_lowered  }
0x13: {  	s23 =	simm.s32 $0x1BFF;
	s22 =	sshll.u32 s6, $0x1;
	s3 =	sadd.s32 s4, s20  }
0x14: {  	s7 =	simm.s32 $0x0;
	s21 =	sshll.u32 s5, $0x1;
	s5 =	sadd.s32 s22, s3  }
0x15: {  	[timem:s7], [sflag:s23] =	dma.local [hbm:s5], s21  }
0x16: {  	_ =	swait.ge [sflag:s23], s21  }
0x17: {  	s4 =	ssub.s32 $0x0, s21;
	[sflag:s23] =	ssyncset.done $0x0  }
0x18: {  	[sflag:s23] =	ssyncadd.s32 s4;
	_ =	sdelay $0x1  }
0x19: {  	s24 =	simm.s32 $0x1B8B  }
0x1a: {  	_ =	swait.ge [sflag:s24], $0x1  }
0x1b: {  	[sflag:s24] =	ssyncset.done $0x0  }
0x1c: {  	s26 =	simm.s32 $0x1B8E;
	s25 =	sld [smem:$0x3FFE];
	[sflag:s24] =	ssyncadd.s32 $0xFFFFFFFF  }
0x1d: {  	s27 =	simm.s32 $execute0_lowered;
	[smem:$0x3FD2] =	sst s26  }
0x1e: {  	s5 =	sshll.u32 s27, $0x1;
	_ =	strace $0x80000049;
	[dreg:$0x1] =	wrdreg $0xFFFFFFFF  }
0x1f: {  	s28 =	simm.s32 $_size_execute0_lowered;
	s3 =	sadd.s32 s3, s5;
	[dreg:$0x0] =	wrdreg $0x0  }
0x20: {  	s5 =	sshll.u32 s28, $0x1;
	[dreg:$0x2] =	wrdreg s3  }
0x21: {  	[dreg:$0x3] =	wrdreg s5  }
0x22: {  	[dreg:$0x4] =	wrdreg $0xC0  }
0x23: {  	_ =	task [dreg:s7], $0x5FFFF  }
0x24: {  	[dreg:$0x1] =	wrdreg $0xFFFFFFFF  }
0x25: {  	[dreg:$0x0] =	wrdreg $0x60  }
0x26: {  	[dreg:$0x2] =	wrdreg s25  }
0x27: {  	[dreg:$0x3] =	wrdreg s2  }
0x28: {  	[dreg:$0x4] =	wrdreg $0x9  }
0x29: {  	_ =	task.clear_ibuf [dreg:s7], $0x5FFFF;
	_ =	strace $0x90000049  }
0x2a: {  	s29 =	simm.s32 $0x9;
	_ =	strace $0x8000004B  }
0x2b: {  	_ =	swait.ge [sflag:s29], $0x1  }
0x2c: {  	[sflag:s29] =	ssyncadd.s32 $0xFFFFFFFF  }
0x2d: {  	_ =	strace $0x9000004B  }
0x2e: {  	_ =	sfence  }
0x2f: {  	s30 =	sld [smem:$0x0];
	_ =	sdelay $0x2  }
0x30: {  	s31 =	sshll.u32 s1, $0xD;
	s1 =	sshrl.u32 s1, $0x2  }
0x31: {  	s3 =	sand.u32 $0x4000, s31;
	s1 =	sadd.s32 s1, s30  }
0x32: {  	s0 =	sor.u32 s3, s0;
	s1 =	sshll.u32 s1, $0x11  }
0x33: {  	s0 =	sor.u32 s1, s0  }
0x34: {  	s0 =	sadd.s32 $0x8F2B, s0  }
0x35: {  	[sflag:s0] =	ssyncadd.remote.s32 $0x1  }
0x36: {  	_ =	sfence.sel $0xFFFF  }
0x37: {  	[dreg:$0x0] =	wrdreg $0xFFFFFFFF;
	(pc) =	sbr.abs _section_cstart, $3  }
0x38: {  	[dreg:$0x1] =	wrdreg $0xFFFFFFFF  }
0x39: {  	_ =	task.clear_ibuf [dreg:s7], $0x2FFFF;
	_ =	strace $0x9FFFFFFF  }
0x3a: {  	(tm) =	ssettm $0x7FFFFFFF  }
0x3b: {  	_ =	shalt  }
tec
execute0_lowered:
.L_overlay_start_1:
0x0: {  	(tag) =	ssettag $0x1  }
0x1: {  	s0 =	srdreg.scid  }
0x2: {  	s1 =	sshll.u32 s0, $0x4  }
0x3: {  	s0 =	stileid.u32;
	s1 =	sand.u32 $0x10, s1  }
0x4: {  	s1 =	sor.u32 s0, s1  }
0x5: {  	s6 =	rddreg [dreg:$0x0];
	s4 =	simm.s32 $0x1;
	s2 =	sshll.u32 s1, $0x7  }
0x6: {  	s7 =	simm.s32 $0x2;
	s12 =	simm.s32 $0x0;
	s1 =	ssub.s32 $0x1000, s2  }
0x7: {  	s8 =	simm.s32 $0x8000;
	s13 =	simm.s32 $0x0;
	s3 =	sand.u32 $0xF80, s1  }
0x8: {  	s9 =	simm.s32 $0x0;
	s5 =	sshrl.u32 s1, $0xC;
	p0 =	sne.s32 s3, $0x0  }
.Ltmp0:
0x9: {  	s1 =	rddreg [dreg:$0x2];
	s4 =	simm.s32 @!p0 $0x0;
	(pc) =	sbr.rel .LBB1_1-.Ltmp0, $4  }
0xa: {  	s11 =	simm.s32 $0x0;
	s3 =	rddreg [dreg:$0x1];
	s5 =	sadd.s32 s4, s5  }
0xb: {  	_ =	strace $0x8000004A;
	s4 =	simm.s32 $0x1;
	s5 =	smul.u32 $0xC8, s5  }
0xc: {  	s6 =	sadd.s32 $0xA00, s6;
	s10 =	smov.u32 s2;
	[sflag:s4] =	ssyncpa.u1 $0x0  }
0xd: {  	p0 =	por $0x0, $0x0;
	[sflag:s7] =	ssyncpa.u1 $0x0;
	s7 =	sor.u32 $0x1, s5  }
.LBB1_4:
0xe: {  	s16 =	sshll.u32 s13, $0x3;
	s17 =	sand.u32 $0x78, s13  }
0xf: {  	s30 =	sand.u32 $0x7E00, s13;
	s12 =	sshll.u32 s12, $0xF;
	s16 =	sand.u32 $0xC00, s16  }
0x10: {  	[tilespmem:s15+$0x810 ss:$0x81] =	vst.msk $0xffff, v2;
	s31 =	sand.u32 $0x7, s13;
	s16 =	sor.u32 s17, s16;
	s17 =	sadd.s32 s3, s30  }
0x11: {  	[tilespmem:s15+$0x1020 ss:$0x81] =	vst.msk $0xffff, v0;
	s13 =	sshll.u32 s31, $0x12;
	s12 =	sadd.s32 s12, s17;
	s16 =	sshrl.u32 s16, $0x3  }
0x12: {  	[tilespmem:s15+$0x0 ss:$0x81] =	vst.msk $0xffff, v1;
	s13 =	sor.u32 $0x400, s13;
	s12 =	sadd.s32 s16, s12  }
0x13: {  	[hbm4b:s12+s13] =	stream.strided.scatter [tilespmem:s14], [sflag:$0x2], $0x2000, s8, s13, $0x20;
	[tilespmem:$0x8080] =	vst v63  }
.LBB1_5:
0x14: {  	s14 =	sadd.s32 $0x1, s9  }
0x15: {  	s12 =	sadd.s32 $0x1000, s10;
	s16 =	smov.u32 s10;
	p2 =	sgt.s32 s14, $0xC7  }
0x16: {  	s16 =	smov.u32 @p2 s12  }
0x17: {  	s14 =	simm.s32 @p2 $0x0;
	p2 =	sgt.s32 s16, $0xFFF  }
0x18: {  	s16 =	smov.u32 @p2 s2;
	p2 =	sne.s32 s11, s7  }
.Ltmp1:
0x19: {  	p1 =	slt.u32 s11, $0x2;
	(pc) =	sbr.rel @!p2 .LBB1_6-.Ltmp1, $4  }
0x1a: {  	s15 =	simm.s32 @!p1 $0x2  }
0x1b: {  	s13 =	smov.u32 s10;
	p0 =	por !p0, !p0;
	_ =	swait.ge @!p1 [sflag:s15], $0x2000  }
0x1c: {  	s12 =	smov.u32 s9;
	[sflag:s15] =	ssyncset.done @!p1 $0x0;
	s9 =	smov.u32 s14  }
0x1d: {  	s11 =	sadd.s32 $0x1, s11;
	[sflag:s15] =	ssyncadd.s32 @!p1 $0xFFFFE000;
	s10 =	smov.u32 s16  }
.LBB1_1:
0x1e: {  	p1 =	sge.u32 s11, s5  }
0x1f: {  	s14 =	sand.u32 @!p1 $0x1FFFFFF, s9  }
0x20: {  	s15 =	smulhi.u32 @!p1 $0x147AE15, s14;
	_ =	sdelay $0x1  }
0x21: {  	s15 =	smul.u32 @!p1 $0xC8, s15  }
0x22: {  	s16 =	sxor.u32 @!p1 $0xFFFFFFFF, s11;
	s17 =	smul.u32 @!p1 $0xC80, s10  }
0x23: {  	s31 =	sadd.s32 $0xFFFFFFFF, s11;
	s16 =	sshll.u32 @!p1 s16, $0xD;
	s14 =	ssub.s32 @!p1 s14, s15  }
0x24: {  	s15 =	sand.u32 @!p1 $0x2000, s16;
	s16 =	sadd.s32 @!p1 s6, s17;
	s14 =	sshll.u32 @!p1 s14, $0x4  }
0x25: {  	s17 =	simm.s32 @!p1 $0x6400;
	s14 =	sadd.s32 @!p1 s14, s16;
	s16 =	simm.s32 @!p1 $0x40  }
0x26: {  	[tilespmem:s15], [sflag:$0x1] =	stream.strided.gather @!p1 [hbm4b:s14+s16], $0x2000, s17, s16, $0x38;
	[tilespmem:$0x8080] =	vst v63  }
0x27: {  	p1 =	sge.u32 s31, s5  }
.Ltmp2:
0x28: {  	_ = 	snop;
	(pc) =	sbr.rel @p1 .LBB1_5-.Ltmp2, $1  }
0x29: {  	_ =	sdelay $0x3  }
0x2a: {  	s14 =	simm.s32 $0x1  }
0x2b: {  	_ =	swait.ge [sflag:s4], $0x2000;
	s14 =	simm.s32 @!p0 $0x0  }
0x2c: {  	[sflag:s4] =	ssyncset.done $0x0;
	s15 =	sshll.u32 s14, $0xD  }
0x2d: {  	[sflag:s4] =	ssyncadd.s32 $0xFFFFE000;
	s18 =	sor.u32 $0x20, s15  }
0x2e: {  	s14 =	smul.u32 $0x8100, s14;
	v3 =	vld [tilespmem:s18+$0x10]  }
0x2f: {  	s30 =	sand.u32 $0x1, s11;
	v2 =	vld [tilespmem:s18+$0xFFFFFFF0]  }
0x30: {  	s15 =	smul.u32 $0x8100, s30;
	s14 =	sshrl.u32 s14, $0x2;
	v0 =	vld [tilespmem:s18+$0x0]  }
0x31: {  	v1 =	vld [tilespmem:s18+$0xFFFFFFE0];
	s16 =	sor.u32 $0x4000, s14  }
0x32: {  	s31 =	sshrl.u32 s15, $0x2;
	s15 =	sadd.s32 $0x0, s16  }
0x33: {  	s17 =	simm.s32 $0x4;
	s18 =	sadd.s32 $0x40, s18;
	s14 =	sor.u32 $0x4000, s31;
	[tilespmem:s15+$0x1830 ss:$0x81] =	vst.msk $0xffff, v3  }
.LBB1_3:
0x34: {  	v3 =	vld [tilespmem:s18+$0x10];
	p1 =	sne.s32 s17, $0x1FC;
	[tilespmem:s15+$0x810 ss:$0x81] =	vst.msk $0xffff, v2;
	s19 =	smov.u32 s17;
	s17 =	sadd.s32 $0x4, s17  }
.Ltmp3:
0x35: {  	v2 =	vld [tilespmem:s18+$0xFFFFFFF0];
	[tilespmem:s15+$0x1020 ss:$0x81] =	vst.msk $0xffff, v0;
	(pc) =	sbr.rel @p1 .LBB1_3-.Ltmp3, $4  }
0x36: {  	v0 =	vld [tilespmem:s18+$0x0];
	[tilespmem:s15+$0x0 ss:$0x81] =	vst.msk $0xffff, v1  }
0x37: {  	s15 =	sshra.s32 s19, $0x2;
	v1 =	vld [tilespmem:s18+$0xFFFFFFE0]  }
0x38: {  	s15 =	sadd.s32 s15, s16  }
0x39: {  	s18 =	sadd.s32 $0x40, s18;
	[tilespmem:s15+$0x1830 ss:$0x81] =	vst.msk $0xffff, v3  }
.Ltmp4:
0x3a: {  	_ = 	snop;
	(pc) =	sbr.rel .LBB1_4-.Ltmp4, $1  }
0x3b: {  	_ =	sdelay $0x3  }
.LBB1_6:
0x3c: {  	_ =	sfence.sel $0x180000  }
0x3d: {  	s2 =	simm.s32 $0x1;
	[bflag:$0x0] =	sbarrier.arrive $0xFFFF  }
0x3e: {  	s31 =	simm.s32 $0x2;
	[sflag:s2] =	ssyncpa.u1 $0x1  }
0x3f: {  	[sflag:s31] =	ssyncpa.u1 $0x1  }
0x40: {  	p0 =	sne.s32 s0, $0x0;
	_ =	strace $0x9000004A  }
0x41: {  	s0 =	sadd.s32 @!p0 $0x100000, s1;
	[bflag:$0x2] =	sbarrier.arrive $0xFFFF  }
0x42: {  	[sflag:s0] =	ssyncadd.tile.s32 @!p0 $0x1;
	_ =	shalt  }
.Lfunc_end1:
_tile_overlayer_lowered:
.L_overlay_start_2:
0x43: {  	(tag) =	ssettag $0x2  }
0x44: {  	s0 =	rddreg [dreg:$0x0];
	s2 =	stileid.u32  }
0x45: {  	s1 =	rddreg [dreg:$0x1];
	p0 =	sne.s32 s2, $0x0  }
0x46: {  	s3 =	rddreg [dreg:$0x2];
	[bflag:$0x3] =	sbarrier.arrive $0xFFFF;
	s2 =	simm.s32 @!p0 $0x1C01  }
0x47: {  	[timem:s3], [sflag:s2] =	dma.local @!p0 [hbm:s0], s1  }
0x48: {  	s0 =	simm.s32 @!p0 $0x1  }
0x49: {  	_ =	swait.ge @!p0 [sflag:s0], s1  }
0x4a: {  	s1 =	ssub.s32 @!p0 $0x0, s1;
	[sflag:s0] =	ssyncset.done @!p0 $0x0  }
0x4b: {  	[sflag:s0] =	ssyncadd.s32 @!p0 s1  }
0x4c: {  	[bflag:$0x3] =	sbarrier.arrive $0xFFFF  }
0x4d: {  	_ =	shalt  }

</sc_bundles>
